<compile_context>
chip_gen: v7x
topology: tpu7x:2x2x1
jax: 0.10.2.dev20260603
libtpu: 0.0.44.dev20260713+nightly
codegen_flags: <defaults>
</compile_context>

<pallas_src>
import jax
import jax.numpy as jnp
from jax import lax
from jax.experimental import pallas as pl
from jax.experimental.pallas import tpu as pltpu
from jax.experimental.pallas import tpu_sc as plsc

_B = 16
_N = 4096
_S = 2048
_C = 3
_D = 128
_L = 16
_H = _N // 2
_HCH = _H // _L
_SCH = _S // _L


def _fps_body(coords2d, values2d, f0_hbm, outc2d, outv2d,
              xv, yv, zv, dist_v, idx_v, f0v, rowv, outrow,
              msg_out, msg_in, shared):
    c = lax.axis_index("c")
    s = lax.axis_index("s")
    b = c * 8 + s // 2
    h = s % 2
    lane = lax.iota(jnp.int32, _L)
    lane_f = lane.astype(jnp.float32)
    hoff = h * _H
    hoff_f = hoff.astype(jnp.float32)

    pltpu.sync_copy(coords2d.at[_C * b + 0], xv)
    pltpu.sync_copy(coords2d.at[_C * b + 1], yv)
    pltpu.sync_copy(coords2d.at[_C * b + 2], zv)
    pltpu.sync_copy(f0_hbm.at[b], f0v)
    fstart = f0v[...].astype(jnp.int32)

    @plsc.parallel_loop(0, _HCH, 1, unroll=8)
    def _init(j):
        dist_v[pl.ds(j * _L, _L)] = jnp.full((_L,), 1e10, jnp.float32)

    msg_out[...] = jnp.full((_L,), -1.0, jnp.float32)
    pltpu.sync_copy(msg_out, shared.at[pl.ds(s * _L, _L)])
    pltpu.sync_copy(msg_out, shared.at[pl.ds((s + 16) * _L, _L)])
    plsc.subcore_barrier()

    def fps_step(i, fvec):
        cx = plsc.load_gather(xv, [fvec])
        cy = plsc.load_gather(yv, [fvec])
        cz = plsc.load_gather(zv, [fvec])
        plsc.store_scatter(idx_v, [jnp.full((_L,), i, jnp.int32)],
                           fvec, mask=lane == 0)

        acc0 = (jnp.full((_L,), -1.0, jnp.float32),
                jnp.full((_L,), 0.0, jnp.float32))

        @plsc.parallel_loop(0, _HCH, 1, unroll=8, carry=acc0)
        def sweep(j, carry):
            m, mi = carry
            sl = pl.ds(j * _L, _L)
            gl = pl.ds(hoff + j * _L, _L)
            dx = xv[gl] - cx
            dy = yv[gl] - cy
            dz = zv[gl] - cz
            d = (dx * dx + dz * dz) + dy * dy
            dd = dist_v[sl]
            dn = jnp.where(d < dd, d, dd)
            dist_v[sl] = dn
            cond = dn > m
            m = jnp.where(cond, dn, m)
            mi = jnp.where(
                cond, ((j * _L).astype(jnp.float32) + hoff_f) + lane_f, mi)
            return m, mi

        m, mi = sweep
        gmax = jnp.max(m)
        cand = jnp.where(m == gmax, mi, jnp.float32(1e9))
        fidx = jnp.min(cand)

        stamp = (i + 1).astype(jnp.float32)
        stamp_v = jnp.full((_L,), stamp)
        stamp_lane = (lane < 4) | ((lane >= 8) & (lane < 12))
        msg_out[...] = jnp.where(
            stamp_lane, stamp_v,
            jnp.where(lane < 8, jnp.full((_L,), gmax),
                      jnp.full((_L,), fidx)))
        par = jnp.bitwise_and(i, 1)
        pltpu.sync_copy(msg_out, shared.at[pl.ds((s + 16 * par) * _L, _L)])

        def poll(st):
            pltpu.sync_copy(shared.at[pl.ds(((s ^ 1) + 16 * par) * _L, _L)],
                            msg_in)
            v = msg_in[...]
            return jnp.min(jnp.where(stamp_lane, v, jnp.float32(1e30)))

        lax.while_loop(lambda st: st < stamp, poll, jnp.float32(-1.0))
        v = msg_in[...]
        pm = jnp.max(jnp.where((lane >= 4) & (lane < 8), v,
                               jnp.float32(-1.0)))
        p_idx = jnp.max(jnp.where(lane >= 12, v, jnp.float32(-1.0)))
        pwin = (pm > gmax) | ((pm == gmax) & (h == 1))
        fnew = jnp.where(pwin, p_idx, fidx)
        return jnp.full((_L,), fnew, jnp.float32).astype(jnp.int32)

    lax.fori_loop(0, _S, fps_step, fstart)

    def gather_value_row(d, carry):
        pltpu.sync_copy(values2d.at[_D * b + 64 * h + d], rowv)

        @plsc.parallel_loop(0, _SCH, 1, unroll=8)
        def _g16(j):
            sl = pl.ds(j * _L, _L)
            outrow[sl] = plsc.load_gather(rowv, [idx_v[sl]])

        pltpu.sync_copy(outrow, outv2d.at[_D * b + 64 * h + d])
        return carry

    lax.fori_loop(0, 64, gather_value_row, 0)

    for ch, src in enumerate((xv, yv, zv)):
        @pl.when(h == (0 if ch < 2 else 1))
        def _(src=src, ch=ch):
            @plsc.parallel_loop(0, _SCH, 1, unroll=8)
            def _g16c(j):
                sl = pl.ds(j * _L, _L)
                outrow[sl] = plsc.load_gather(src, [idx_v[sl]])

            pltpu.sync_copy(outrow, outc2d.at[_C * b + ch])


@jax.jit
def _run(coords2d, values2d, f0):
    mesh = plsc.VectorSubcoreMesh(core_axis_name="c", subcore_axis_name="s")
    return pl.kernel(
        _fps_body,
        out_type=(
            jax.ShapeDtypeStruct((_B * _C, _S), jnp.float32),
            jax.ShapeDtypeStruct((_B * _D, _S), jnp.float32),
        ),
        mesh=mesh,
        scratch_types=[
            pltpu.VMEM((_N,), jnp.float32),
            pltpu.VMEM((_N,), jnp.float32),
            pltpu.VMEM((_N,), jnp.float32),
            pltpu.VMEM((_H,), jnp.float32),
            pltpu.VMEM((_S,), jnp.int32),
            pltpu.VMEM((_L,), jnp.float32),
            pltpu.VMEM((_N,), jnp.float32),
            pltpu.VMEM((_S,), jnp.float32),
            pltpu.VMEM((_L,), jnp.float32),
            pltpu.VMEM((_L,), jnp.float32),
            pltpu.VMEM_SHARED((32 * _L,), jnp.float32),
        ],
        compiler_params=pltpu.CompilerParams(needs_layout_passes=False),
        name="fps_subsample_sc",
    )(coords2d, values2d, f0)


def kernel(coords, values):
    B, C, N = coords.shape
    _, D, _ = values.shape
    f0 = jax.random.randint(jax.random.key(42), (B,), 0, N).astype(jnp.float32)
    f0 = jnp.broadcast_to(f0[:, None], (B, 16))
    outc2d, outv2d = _run(coords.reshape(B * C, N),
                          values.reshape(B * D, N), f0)
    return outc2d.reshape(B, C, _S), outv2d.reshape(B, D, _S)

# --- scband reference (transcript-rebuilt; emitter-appended) ---
"""Pipeline reference for scband-farthest-subsample-2869038153767 (READ-ONLY COPY).

The authoritative reference and input builder live on the scoring server;
editing this copy changes nothing except your own understanding.
"""

import jax, jax.numpy as jnp
import numpy as np

DS_FRAC = 0.5
KNN_CHANNELS = 3


def farthest_point_sample(xyz, npoint, key):
    # xyz: [B, N, C] -> centroids: [B, npoint] (int32 indices)
    B, N, C = xyz.shape
    farthest0 = jax.random.randint(key, (B,), 0, N)
    distance0 = jnp.full((B, N), 1e10, dtype=xyz.dtype)
    batch = jnp.arange(B)

    def body(carry, _):
        distance, farthest = carry
        centroid = xyz[batch, farthest, :][:, None, :]  # [B,1,C] gather
        dist = jnp.sum((xyz - centroid) ** 2, axis=-1)   # [B,N]
        distance = jnp.where(dist < distance, dist, distance)
        new_farthest = jnp.argmax(distance, axis=-1)
        return (distance, new_farthest), farthest

    (_, _), cent = jax.lax.scan(body, (distance0, farthest0), None, length=npoint)
    return cent.T  # [B, npoint]


def index_points(points, idx):
    # points: [B, N, C], idx: [B, S] -> [B, S, C]
    B = points.shape[0]
    return points[jnp.arange(B)[:, None], idx, :]


def setup_inputs(seed: int = 0):
    key = jax.random.key(seed)
    k1, k2 = jax.random.split(key)
    coords = jax.random.normal(k1, (16, 3, 4096), dtype=jnp.float32)
    values = jax.random.normal(k2, (16, 128, 4096), dtype=jnp.float32)
    return {"coords": coords, "values": values}


def reference(coords, values):
    # coords: [B, 3, N], values: [B, d, N]  (x = (coords, values))
    c = jnp.transpose(coords, (0, 2, 1))  # [B, N, 3]
    v = jnp.transpose(values, (0, 2, 1))  # [B, N, d]
    npoint = int(np.round(c.shape[1] * DS_FRAC))
    fps_idx = farthest_point_sample(c[:, :, :KNN_CHANNELS], npoint, jax.random.key(42))
    new_coords = jnp.transpose(index_points(c, fps_idx), (0, 2, 1))  # [B, 3, S]
    new_values = jnp.transpose(index_points(v, fps_idx), (0, 2, 1))  # [B, d, S]
    return (new_coords, new_values)

if __name__ == "__main__":
    import jax
    _d = setup_inputs()
    print(jax.jit(kernel)(*tuple(_d.values())))

</pallas_src>

<mosaic_0001>
#map = affine_map<(d0, d1) -> (0, 0)>
module attributes {stable_mosaic.version = 14 : i64} {
  func.func @fps_subsample_sc(%arg0: i32, %arg1: i32, %arg2: memref<48x4096xf32, #tpu.memory_space<hbm>>, %arg3: memref<2048x4096xf32, #tpu.memory_space<hbm>>, %arg4: memref<16x16xf32, #tpu.memory_space<hbm>>, %arg5: memref<48x2048xf32, #tpu.memory_space<hbm>>, %arg6: memref<2048x2048xf32, #tpu.memory_space<hbm>>, %arg7: memref<4096xf32, #tpu.memory_space<vmem>>, %arg8: memref<4096xf32, #tpu.memory_space<vmem>>, %arg9: memref<4096xf32, #tpu.memory_space<vmem>>, %arg10: memref<2048xf32, #tpu.memory_space<vmem>>, %arg11: memref<2048xi32, #tpu.memory_space<vmem>>, %arg12: memref<16xf32, #tpu.memory_space<vmem>>, %arg13: memref<4096xf32, #tpu.memory_space<vmem>>, %arg14: memref<2048xf32, #tpu.memory_space<vmem>>, %arg15: memref<16xf32, #tpu.memory_space<vmem>>, %arg16: memref<16xf32, #tpu.memory_space<vmem>>, %arg17: memref<512xf32, #tpu.memory_space<vmem_shared>>) attributes {dimension_semantics = [#tpu.dimension_semantics<core_parallel>, #tpu.dimension_semantics<subcore_parallel>], iteration_bounds = array<i64: 2, 16>, scalar_prefetch = 0 : i64, scratch_operands = 11 : i64, tpu.core_type = #tpu.core_type<sc_vector_subcore>, window_params = [{transform_indices = #map}, {transform_indices = #map}, {transform_indices = #map}, {transform_indices = #map}, {transform_indices = #map}]} {
    %mul3A = arith.constant 8 : i32
    %mul3A_0 = arith.muli %arg0, %mul3A : i32
    %jit3A = arith.constant 2 : i32
    %div3A = arith.divsi %arg1, %jit3A : i32
    %sign3A = arith.constant 0 : i32
    %sign3A_1 = arith.cmpi sgt, %arg1, %sign3A : i32
    %sign3A_2 = arith.extui %sign3A_1 : i1 to i32
    %sign3A_3 = arith.constant 0 : i32
    %sign3A_4 = arith.cmpi slt, %arg1, %sign3A_3 : i32
    %sign3A_5 = arith.extui %sign3A_4 : i1 to i32
    %sign3A_6 = arith.subi %sign3A_2, %sign3A_5 : i32
    %sign3A_7 = arith.constant 0 : i32
    %sign3A_8 = arith.cmpi sgt, %jit3A, %sign3A_7 : i32
    %sign3A_9 = arith.extui %sign3A_8 : i1 to i32
    %sign3A_10 = arith.constant 0 : i32
    %sign3A_11 = arith.cmpi slt, %jit3A, %sign3A_10 : i32
    %sign3A_12 = arith.extui %sign3A_11 : i1 to i32
    %sign3A_13 = arith.subi %sign3A_9, %sign3A_12 : i32
    %ne3A = arith.cmpi ne, %sign3A_6, %sign3A_13 : i32
    %rem3A = arith.remsi %arg1, %jit3A : i32
    %ne3A_14 = arith.constant 0 : i32
    %ne3A_15 = arith.cmpi ne, %rem3A, %ne3A_14 : i32
    %and3A = arith.andi %ne3A, %ne3A_15 : i1
    %sub3A = arith.constant 1 : i32
    %sub3A_16 = arith.subi %div3A, %sub3A : i32
    %select_n3A = arith.select %and3A, %sub3A_16, %div3A : i32
    %add3A = arith.addi %mul3A_0, %select_n3A : i32
    %jit3A_17 = arith.constant 2 : i32
    %eq3A = arith.constant 0 : i32
    %eq3A_18 = arith.cmpi eq, %jit3A_17, %eq3A : i32
    %jit3A_19 = arith.constant 1 : i32
    %select_n3A_20 = arith.select %eq3A_18, %jit3A_19, %jit3A_17 : i32
    %rem3A_21 = arith.remsi %arg1, %select_n3A_20 : i32
    %ne3A_22 = arith.constant 0 : i32
    %ne3A_23 = arith.cmpi ne, %rem3A_21, %ne3A_22 : i32
    %lt3A = arith.constant 0 : i32
    %lt3A_24 = arith.cmpi slt, %rem3A_21, %lt3A : i32
    %lt3A_25 = arith.constant 0 : i32
    %lt3A_26 = arith.cmpi slt, %select_n3A_20, %lt3A_25 : i32
    %ne3A_27 = arith.xori %lt3A_24, %lt3A_26 : i1
    %and3A_28 = arith.andi %ne3A_27, %ne3A_23 : i1
    %add3A_29 = arith.addi %rem3A_21, %select_n3A_20 : i32
    %select_n3A_30 = arith.select %and3A_28, %add3A_29, %rem3A_21 : i32
    %iota3A = tpu.iota {dimensions = array<i32: 0>} : vector<16xi32>
    %convert_element_type3A = arith.sitofp %iota3A : vector<16xi32> to vector<16xf32>
    %mul3A_31 = arith.constant 2048 : i32
    %mul3A_32 = arith.muli %select_n3A_30, %mul3A_31 : i32
    %convert_element_type3A_33 = arith.sitofp %mul3A_32 : i32 to f32
    %mul3A_34 = arith.constant 3 : i32
    %mul3A_35 = arith.muli %mul3A_34, %add3A : i32
    %add3A_36 = arith.constant 0 : i32
    %add3A_37 = arith.addi %mul3A_35, %add3A_36 : i32
    "tpu.region"() ({
      %run_scoped3A = tpu.sem_alloc : memref<!tpu.dma_semaphore, #tpu.memory_space<semaphore_mem>>
      %dma_start3A = arith.constant 0 : i32
      %dma_start3A_83 = tpu.memref_slice %arg2[%add3A_37, %dma_start3A] : memref<48x4096xf32, #tpu.memory_space<hbm>> -> memref<1x4096xf32, #tpu.memory_space<hbm>>
      %dma_start3A_84 = tpu.memref_squeeze %dma_start3A_83 : memref<1x4096xf32, #tpu.memory_space<hbm>> -> memref<4096xf32, #tpu.memory_space<hbm>>
      %dma_start3A_85 = arith.constant 0 : i32
      %dma_start3A_86 = tpu.memref_slice %arg2[%add3A_37, %dma_start3A_85] : memref<48x4096xf32, #tpu.memory_space<hbm>> -> memref<1x4096xf32, #tpu.memory_space<hbm>>
      %dma_start3A_87 = tpu.memref_squeeze %dma_start3A_86 : memref<1x4096xf32, #tpu.memory_space<hbm>> -> memref<4096xf32, #tpu.memory_space<hbm>>
      tpu.enqueue_dma source(%dma_start3A_87 : memref<4096xf32, #tpu.memory_space<hbm>>) target(%arg7 : memref<4096xf32, #tpu.memory_space<vmem>>) target_semaphore(%run_scoped3A : memref<!tpu.dma_semaphore, #tpu.memory_space<semaphore_mem>>)
      %dma_wait3A = arith.constant 0 : i32
      %dma_wait3A_88 = tpu.memref_slice %arg2[%add3A_37, %dma_wait3A] : memref<48x4096xf32, #tpu.memory_space<hbm>> -> memref<1x4096xf32, #tpu.memory_space<hbm>>
      %dma_wait3A_89 = tpu.memref_squeeze %dma_wait3A_88 : memref<1x4096xf32, #tpu.memory_space<hbm>> -> memref<4096xf32, #tpu.memory_space<hbm>>
      %dma_wait3A_90 = arith.constant 0 : i32
      %dma_wait3A_91 = tpu.memref_slice %arg2[%add3A_37, %dma_wait3A_90] : memref<48x4096xf32, #tpu.memory_space<hbm>> -> memref<1x4096xf32, #tpu.memory_space<hbm>>
      %dma_wait3A_92 = tpu.memref_squeeze %dma_wait3A_91 : memref<1x4096xf32, #tpu.memory_space<hbm>> -> memref<4096xf32, #tpu.memory_space<hbm>>
      tpu.wait_dma2 semaphore(%run_scoped3A : memref<!tpu.dma_semaphore, #tpu.memory_space<semaphore_mem>>) src(%dma_wait3A_92 : memref<4096xf32, #tpu.memory_space<hbm>>) dst(%arg7 : memref<4096xf32, #tpu.memory_space<vmem>>)
      tpu.yield
    }) : () -> ()
    %mul3A_38 = arith.constant 3 : i32
    %mul3A_39 = arith.muli %mul3A_38, %add3A : i32
    %add3A_40 = arith.constant 1 : i32
    %add3A_41 = arith.addi %mul3A_39, %add3A_40 : i32
    "tpu.region"() ({
      %run_scoped3A = tpu.sem_alloc : memref<!tpu.dma_semaphore, #tpu.memory_space<semaphore_mem>>
      %dma_start3A = arith.constant 0 : i32
      %dma_start3A_83 = tpu.memref_slice %arg2[%add3A_41, %dma_start3A] : memref<48x4096xf32, #tpu.memory_space<hbm>> -> memref<1x4096xf32, #tpu.memory_space<hbm>>
      %dma_start3A_84 = tpu.memref_squeeze %dma_start3A_83 : memref<1x4096xf32, #tpu.memory_space<hbm>> -> memref<4096xf32, #tpu.memory_space<hbm>>
      %dma_start3A_85 = arith.constant 0 : i32
      %dma_start3A_86 = tpu.memref_slice %arg2[%add3A_41, %dma_start3A_85] : memref<48x4096xf32, #tpu.memory_space<hbm>> -> memref<1x4096xf32, #tpu.memory_space<hbm>>
      %dma_start3A_87 = tpu.memref_squeeze %dma_start3A_86 : memref<1x4096xf32, #tpu.memory_space<hbm>> -> memref<4096xf32, #tpu.memory_space<hbm>>
      tpu.enqueue_dma source(%dma_start3A_87 : memref<4096xf32, #tpu.memory_space<hbm>>) target(%arg8 : memref<4096xf32, #tpu.memory_space<vmem>>) target_semaphore(%run_scoped3A : memref<!tpu.dma_semaphore, #tpu.memory_space<semaphore_mem>>)
      %dma_wait3A = arith.constant 0 : i32
      %dma_wait3A_88 = tpu.memref_slice %arg2[%add3A_41, %dma_wait3A] : memref<48x4096xf32, #tpu.memory_space<hbm>> -> memref<1x4096xf32, #tpu.memory_space<hbm>>
      %dma_wait3A_89 = tpu.memref_squeeze %dma_wait3A_88 : memref<1x4096xf32, #tpu.memory_space<hbm>> -> memref<4096xf32, #tpu.memory_space<hbm>>
      %dma_wait3A_90 = arith.constant 0 : i32
      %dma_wait3A_91 = tpu.memref_slice %arg2[%add3A_41, %dma_wait3A_90] : memref<48x4096xf32, #tpu.memory_space<hbm>> -> memref<1x4096xf32, #tpu.memory_space<hbm>>
      %dma_wait3A_92 = tpu.memref_squeeze %dma_wait3A_91 : memref<1x4096xf32, #tpu.memory_space<hbm>> -> memref<4096xf32, #tpu.memory_space<hbm>>
      tpu.wait_dma2 semaphore(%run_scoped3A : memref<!tpu.dma_semaphore, #tpu.memory_space<semaphore_mem>>) src(%dma_wait3A_92 : memref<4096xf32, #tpu.memory_space<hbm>>) dst(%arg8 : memref<4096xf32, #tpu.memory_space<vmem>>)
      tpu.yield
    }) : () -> ()
    %mul3A_42 = arith.constant 3 : i32
    %mul3A_43 = arith.muli %mul3A_42, %add3A : i32
    %add3A_44 = arith.constant 2 : i32
    %add3A_45 = arith.addi %mul3A_43, %add3A_44 : i32
    "tpu.region"() ({
      %run_scoped3A = tpu.sem_alloc : memref<!tpu.dma_semaphore, #tpu.memory_space<semaphore_mem>>
      %dma_start3A = arith.constant 0 : i32
      %dma_start3A_83 = tpu.memref_slice %arg2[%add3A_45, %dma_start3A] : memref<48x4096xf32, #tpu.memory_space<hbm>> -> memref<1x4096xf32, #tpu.memory_space<hbm>>
      %dma_start3A_84 = tpu.memref_squeeze %dma_start3A_83 : memref<1x4096xf32, #tpu.memory_space<hbm>> -> memref<4096xf32, #tpu.memory_space<hbm>>
      %dma_start3A_85 = arith.constant 0 : i32
      %dma_start3A_86 = tpu.memref_slice %arg2[%add3A_45, %dma_start3A_85] : memref<48x4096xf32, #tpu.memory_space<hbm>> -> memref<1x4096xf32, #tpu.memory_space<hbm>>
      %dma_start3A_87 = tpu.memref_squeeze %dma_start3A_86 : memref<1x4096xf32, #tpu.memory_space<hbm>> -> memref<4096xf32, #tpu.memory_space<hbm>>
      tpu.enqueue_dma source(%dma_start3A_87 : memref<4096xf32, #tpu.memory_space<hbm>>) target(%arg9 : memref<4096xf32, #tpu.memory_space<vmem>>) target_semaphore(%run_scoped3A : memref<!tpu.dma_semaphore, #tpu.memory_space<semaphore_mem>>)
      %dma_wait3A = arith.constant 0 : i32
      %dma_wait3A_88 = tpu.memref_slice %arg2[%add3A_45, %dma_wait3A] : memref<48x4096xf32, #tpu.memory_space<hbm>> -> memref<1x4096xf32, #tpu.memory_space<hbm>>
      %dma_wait3A_89 = tpu.memref_squeeze %dma_wait3A_88 : memref<1x4096xf32, #tpu.memory_space<hbm>> -> memref<4096xf32, #tpu.memory_space<hbm>>
      %dma_wait3A_90 = arith.constant 0 : i32
      %dma_wait3A_91 = tpu.memref_slice %arg2[%add3A_45, %dma_wait3A_90] : memref<48x4096xf32, #tpu.memory_space<hbm>> -> memref<1x4096xf32, #tpu.memory_space<hbm>>
      %dma_wait3A_92 = tpu.memref_squeeze %dma_wait3A_91 : memref<1x4096xf32, #tpu.memory_space<hbm>> -> memref<4096xf32, #tpu.memory_space<hbm>>
      tpu.wait_dma2 semaphore(%run_scoped3A : memref<!tpu.dma_semaphore, #tpu.memory_space<semaphore_mem>>) src(%dma_wait3A_92 : memref<4096xf32, #tpu.memory_space<hbm>>) dst(%arg9 : memref<4096xf32, #tpu.memory_space<vmem>>)
      tpu.yield
    }) : () -> ()
    "tpu.region"() ({
      %run_scoped3A = tpu.sem_alloc : memref<!tpu.dma_semaphore, #tpu.memory_space<semaphore_mem>>
      %dma_start3A = arith.constant 0 : i32
      %dma_start3A_83 = tpu.memref_slice %arg4[%add3A, %dma_start3A] : memref<16x16xf32, #tpu.memory_space<hbm>> -> memref<1x16xf32, #tpu.memory_space<hbm>>
      %dma_start3A_84 = tpu.memref_squeeze %dma_start3A_83 : memref<1x16xf32, #tpu.memory_space<hbm>> -> memref<16xf32, #tpu.memory_space<hbm>>
      %dma_start3A_85 = arith.constant 0 : i32
      %dma_start3A_86 = tpu.memref_slice %arg4[%add3A, %dma_start3A_85] : memref<16x16xf32, #tpu.memory_space<hbm>> -> memref<1x16xf32, #tpu.memory_space<hbm>>
      %dma_start3A_87 = tpu.memref_squeeze %dma_start3A_86 : memref<1x16xf32, #tpu.memory_space<hbm>> -> memref<16xf32, #tpu.memory_space<hbm>>
      tpu.enqueue_dma source(%dma_start3A_87 : memref<16xf32, #tpu.memory_space<hbm>>) target(%arg12 : memref<16xf32, #tpu.memory_space<vmem>>) target_semaphore(%run_scoped3A : memref<!tpu.dma_semaphore, #tpu.memory_space<semaphore_mem>>)
      %dma_wait3A = arith.constant 0 : i32
      %dma_wait3A_88 = tpu.memref_slice %arg4[%add3A, %dma_wait3A] : memref<16x16xf32, #tpu.memory_space<hbm>> -> memref<1x16xf32, #tpu.memory_space<hbm>>
      %dma_wait3A_89 = tpu.memref_squeeze %dma_wait3A_88 : memref<1x16xf32, #tpu.memory_space<hbm>> -> memref<16xf32, #tpu.memory_space<hbm>>
      %dma_wait3A_90 = arith.constant 0 : i32
      %dma_wait3A_91 = tpu.memref_slice %arg4[%add3A, %dma_wait3A_90] : memref<16x16xf32, #tpu.memory_space<hbm>> -> memref<1x16xf32, #tpu.memory_space<hbm>>
      %dma_wait3A_92 = tpu.memref_squeeze %dma_wait3A_91 : memref<1x16xf32, #tpu.memory_space<hbm>> -> memref<16xf32, #tpu.memory_space<hbm>>
      tpu.wait_dma2 semaphore(%run_scoped3A : memref<!tpu.dma_semaphore, #tpu.memory_space<semaphore_mem>>) src(%dma_wait3A_92 : memref<16xf32, #tpu.memory_space<hbm>>) dst(%arg12 : memref<16xf32, #tpu.memory_space<vmem>>)
      tpu.yield
    }) : () -> ()
    %get3A = arith.constant 0 : index
    %get3A_46 = tpu.vector_load %arg12[%get3A] {strides = array<i32>} : memref<16xf32, #tpu.memory_space<vmem>>, vector<16xf32>,
    %convert_element_type3A_47 = arith.fptosi %get3A_46 : vector<16xf32> to vector<16xi32>
    %parallel_loop3A = arith.constant 0 : i32
    %parallel_loop3A_48 = arith.constant 128 : i32
    %parallel_loop3A_49 = arith.constant 1 : i32
    scf.for %parallel_loop3A_83 = %parallel_loop3A to %parallel_loop3A_48 step %parallel_loop3A_49  : i32 {
      %parallel_loop3A_84 = arith.constant 1.000000e+10 : f32
      %parallel_loop3A_85 = vector.broadcast %parallel_loop3A_84 : f32 to vector<16xf32>
      %parallel_loop3A_86 = arith.constant 16 : i32
      %parallel_loop3A_87 = arith.muli %parallel_loop3A_83, %parallel_loop3A_86 : i32
      %parallel_loop3A_88 = arith.index_cast %parallel_loop3A_87 : i32 to index
      %parallel_loop3A_89 = tpu.vector_load %arg10[%parallel_loop3A_88] {strides = array<i32>} : memref<2048xf32, #tpu.memory_space<vmem>>, vector<16xf32>,
      tpu.vector_store %arg10[%parallel_loop3A_88], %parallel_loop3A_85 {strides = array<i32>} : memref<2048xf32, #tpu.memory_space<vmem>>, vector<16xf32>,
    } {sc.loop_unroll_factor = 8 : i64, sc.parallel_access}
    %broadcast_in_dim3A = arith.constant -1.000000e+00 : f32
    %broadcast_in_dim3A_50 = vector.broadcast %broadcast_in_dim3A : f32 to vector<16xf32>
    %swap3A = arith.constant 0 : index
    %swap3A_51 = tpu.vector_load %arg15[%swap3A] {strides = array<i32>} : memref<16xf32, #tpu.memory_space<vmem>>, vector<16xf32>,
    tpu.vector_store %arg15[%swap3A], %broadcast_in_dim3A_50 {strides = array<i32>} : memref<16xf32, #tpu.memory_space<vmem>>, vector<16xf32>,
    %mul3A_52 = arith.constant 16 : i32
    %mul3A_53 = arith.muli %arg1, %mul3A_52 : i32
    "tpu.region"() ({
      %run_scoped3A = tpu.sem_alloc : memref<!tpu.dma_semaphore, #tpu.memory_space<semaphore_mem>>
      %dma_start3A = tpu.memref_slice %arg17[%mul3A_53] : memref<512xf32, #tpu.memory_space<vmem_shared>> -> memref<16xf32, #tpu.memory_space<vmem_shared>>
      %dma_start3A_83 = tpu.memref_slice %arg17[%mul3A_53] : memref<512xf32, #tpu.memory_space<vmem_shared>> -> memref<16xf32, #tpu.memory_space<vmem_shared>>
      tpu.enqueue_dma source(%arg15 : memref<16xf32, #tpu.memory_space<vmem>>) target(%dma_start3A_83 : memref<16xf32, #tpu.memory_space<vmem_shared>>) target_semaphore(%run_scoped3A : memref<!tpu.dma_semaphore, #tpu.memory_space<semaphore_mem>>)
      %dma_wait3A = tpu.memref_slice %arg17[%mul3A_53] : memref<512xf32, #tpu.memory_space<vmem_shared>> -> memref<16xf32, #tpu.memory_space<vmem_shared>>
      %dma_wait3A_84 = tpu.memref_slice %arg17[%mul3A_53] : memref<512xf32, #tpu.memory_space<vmem_shared>> -> memref<16xf32, #tpu.memory_space<vmem_shared>>
      tpu.wait_dma2 semaphore(%run_scoped3A : memref<!tpu.dma_semaphore, #tpu.memory_space<semaphore_mem>>) src(%arg15 : memref<16xf32, #tpu.memory_space<vmem>>) dst(%dma_wait3A_84 : memref<16xf32, #tpu.memory_space<vmem_shared>>)
      tpu.yield
    }) : () -> ()
    %add3A_54 = arith.constant 16 : i32
    %add3A_55 = arith.addi %arg1, %add3A_54 : i32
    %mul3A_56 = arith.constant 16 : i32
    %mul3A_57 = arith.muli %add3A_55, %mul3A_56 : i32
    "tpu.region"() ({
      %run_scoped3A = tpu.sem_alloc : memref<!tpu.dma_semaphore, #tpu.memory_space<semaphore_mem>>
      %dma_start3A = tpu.memref_slice %arg17[%mul3A_57] : memref<512xf32, #tpu.memory_space<vmem_shared>> -> memref<16xf32, #tpu.memory_space<vmem_shared>>
      %dma_start3A_83 = tpu.memref_slice %arg17[%mul3A_57] : memref<512xf32, #tpu.memory_space<vmem_shared>> -> memref<16xf32, #tpu.memory_space<vmem_shared>>
      tpu.enqueue_dma source(%arg15 : memref<16xf32, #tpu.memory_space<vmem>>) target(%dma_start3A_83 : memref<16xf32, #tpu.memory_space<vmem_shared>>) target_semaphore(%run_scoped3A : memref<!tpu.dma_semaphore, #tpu.memory_space<semaphore_mem>>)
      %dma_wait3A = tpu.memref_slice %arg17[%mul3A_57] : memref<512xf32, #tpu.memory_space<vmem_shared>> -> memref<16xf32, #tpu.memory_space<vmem_shared>>
      %dma_wait3A_84 = tpu.memref_slice %arg17[%mul3A_57] : memref<512xf32, #tpu.memory_space<vmem_shared>> -> memref<16xf32, #tpu.memory_space<vmem_shared>>
      tpu.wait_dma2 semaphore(%run_scoped3A : memref<!tpu.dma_semaphore, #tpu.memory_space<semaphore_mem>>) src(%arg15 : memref<16xf32, #tpu.memory_space<vmem>>) dst(%dma_wait3A_84 : memref<16xf32, #tpu.memory_space<vmem_shared>>)
      tpu.yield
    }) : () -> ()
    %barrier3A = arith.constant 0 : index
    tpu.barrier barrier_id(%barrier3A)
    %scan3A = arith.constant 0 : i32
    %scan3A_58 = arith.constant 2048 : i32
    %scan3A_59 = arith.addi %scan3A, %scan3A_58 : i32
    %scan3A_60 = arith.constant 1 : i32
    %scan3A_61 = scf.for %scan3A_83 = %scan3A to %scan3A_59 step %scan3A_60 iter_args(%scan3A_84 = %convert_element_type3A_47) -> (vector<16xi32>)  : i32 {
      %gather3A = tpu.vector_load_idx %arg7[%scan3A_84] : memref<4096xf32, #tpu.memory_space<vmem>>[vector<16xi32>], vector<16xf32>,
      %gather3A_85 = tpu.vector_load_idx %arg8[%scan3A_84] : memref<4096xf32, #tpu.memory_space<vmem>>[vector<16xi32>], vector<16xf32>,
      %gather3A_86 = tpu.vector_load_idx %arg9[%scan3A_84] : memref<4096xf32, #tpu.memory_space<vmem>>[vector<16xi32>], vector<16xf32>,
      %broadcast_in_dim3A_87 = vector.broadcast %scan3A_83 : i32 to vector<16xi32>
      %eq3A_88 = arith.constant 0 : i32
      %eq3A_89 = vector.broadcast %eq3A_88 : i32 to vector<16xi32>
      %eq3A_90 = arith.cmpi eq, %iota3A, %eq3A_89 : vector<16xi32>
      tpu.vector_store_idx %arg11[%broadcast_in_dim3A_87], %scan3A_84 masked %eq3A_90 : memref<2048xi32, #tpu.memory_space<vmem>>[vector<16xi32>], vector<16xi32>, vector<16xi1>
      %broadcast_in_dim3A_91 = arith.constant -1.000000e+00 : f32
      %broadcast_in_dim3A_92 = vector.broadcast %broadcast_in_dim3A_91 : f32 to vector<16xf32>
      %broadcast_in_dim3A_93 = arith.constant 0.000000e+00 : f32
      %broadcast_in_dim3A_94 = vector.broadcast %broadcast_in_dim3A_93 : f32 to vector<16xf32>
      %parallel_loop3A_95 = arith.constant 0 : i32
      %parallel_loop3A_96 = arith.constant 128 : i32
      %parallel_loop3A_97 = arith.constant 1 : i32
      %parallel_loop3A_98:2 = scf.for %parallel_loop3A_174 = %parallel_loop3A_95 to %parallel_loop3A_96 step %parallel_loop3A_97 iter_args(%parallel_loop3A_175 = %broadcast_in_dim3A_92, %parallel_loop3A_176 = %broadcast_in_dim3A_94) -> (vector<16xf32>, vector<16xf32>)  : i32 {
        %parallel_loop3A_177 = arith.constant 16 : i32
        %parallel_loop3A_178 = arith.muli %parallel_loop3A_174, %parallel_loop3A_177 : i32
        %parallel_loop3A_179 = arith.constant 16 : i32
        %parallel_loop3A_180 = arith.muli %parallel_loop3A_174, %parallel_loop3A_179 : i32
        %parallel_loop3A_181 = arith.addi %mul3A_32, %parallel_loop3A_180 : i32
        %parallel_loop3A_182 = arith.index_cast %parallel_loop3A_181 : i32 to index
        %parallel_loop3A_183 = tpu.vector_load %arg7[%parallel_loop3A_182] {strides = array<i32>} : memref<4096xf32, #tpu.memory_space<vmem>>, vector<16xf32>,
        %parallel_loop3A_184 = arith.subf %parallel_loop3A_183, %gather3A : vector<16xf32>
        %parallel_loop3A_185 = arith.index_cast %parallel_loop3A_181 : i32 to index
        %parallel_loop3A_186 = tpu.vector_load %arg8[%parallel_loop3A_185] {strides = array<i32>} : memref<4096xf32, #tpu.memory_space<vmem>>, vector<16xf32>,
        %parallel_loop3A_187 = arith.subf %parallel_loop3A_186, %gather3A_85 : vector<16xf32>
        %parallel_loop3A_188 = arith.index_cast %parallel_loop3A_181 : i32 to index
        %parallel_loop3A_189 = tpu.vector_load %arg9[%parallel_loop3A_188] {strides = array<i32>} : memref<4096xf32, #tpu.memory_space<vmem>>, vector<16xf32>,
        %parallel_loop3A_190 = arith.subf %parallel_loop3A_189, %gather3A_86 : vector<16xf32>
        %parallel_loop3A_191 = arith.mulf %parallel_loop3A_184, %parallel_loop3A_184 : vector<16xf32>
        %parallel_loop3A_192 = arith.mulf %parallel_loop3A_190, %parallel_loop3A_190 : vector<16xf32>
        %parallel_loop3A_193 = arith.addf %parallel_loop3A_191, %parallel_loop3A_192 : vector<16xf32>
        %parallel_loop3A_194 = arith.mulf %parallel_loop3A_187, %parallel_loop3A_187 : vector<16xf32>
        %parallel_loop3A_195 = arith.addf %parallel_loop3A_193, %parallel_loop3A_194 : vector<16xf32>
        %parallel_loop3A_196 = arith.index_cast %parallel_loop3A_178 : i32 to index
        %parallel_loop3A_197 = tpu.vector_load %arg10[%parallel_loop3A_196] {strides = array<i32>} : memref<2048xf32, #tpu.memory_space<vmem>>, vector<16xf32>,
        %parallel_loop3A_198 = arith.cmpf olt, %parallel_loop3A_195, %parallel_loop3A_197 : vector<16xf32>
        %parallel_loop3A_199 = arith.select %parallel_loop3A_198, %parallel_loop3A_195, %parallel_loop3A_197 : vector<16xi1>, vector<16xf32>
        %parallel_loop3A_200 = arith.index_cast %parallel_loop3A_178 : i32 to index
        %parallel_loop3A_201 = tpu.vector_load %arg10[%parallel_loop3A_200] {strides = array<i32>} : memref<2048xf32, #tpu.memory_space<vmem>>, vector<16xf32>,
        tpu.vector_store %arg10[%parallel_loop3A_200], %parallel_loop3A_199 {strides = array<i32>} : memref<2048xf32, #tpu.memory_space<vmem>>, vector<16xf32>,
        %parallel_loop3A_202 = arith.cmpf ogt, %parallel_loop3A_199, %parallel_loop3A_175 : vector<16xf32>
        %parallel_loop3A_203 = arith.select %parallel_loop3A_202, %parallel_loop3A_199, %parallel_loop3A_175 : vector<16xi1>, vector<16xf32>
        %parallel_loop3A_204 = arith.constant 16 : i32
        %parallel_loop3A_205 = arith.muli %parallel_loop3A_174, %parallel_loop3A_204 : i32
        %parallel_loop3A_206 = arith.sitofp %parallel_loop3A_205 : i32 to f32
        %parallel_loop3A_207 = arith.addf %parallel_loop3A_206, %convert_element_type3A_33 : f32
        %parallel_loop3A_208 = vector.broadcast %parallel_loop3A_207 : f32 to vector<16xf32>
        %parallel_loop3A_209 = arith.addf %parallel_loop3A_208, %convert_element_type3A : vector<16xf32>
        %parallel_loop3A_210 = arith.select %parallel_loop3A_202, %parallel_loop3A_209, %parallel_loop3A_176 : vector<16xi1>, vector<16xf32>
        scf.yield %parallel_loop3A_203, %parallel_loop3A_210 : vector<16xf32>, vector<16xf32>
      } {sc.loop_unroll_factor = 8 : i64, sc.parallel_access}
      %reduce_max3A = arith.constant true
      %reduce_max3A_99 = vector.broadcast %reduce_max3A : i1 to vector<16xi1>
      %reduce_max3A_100 = tpu.scan <max>, %parallel_loop3A_98#0 masked %reduce_max3A_99 : vector<16xf32>, vector<16xi1> -> vector<16xf32>
      %reduce_max3A_101 = vector.extract %reduce_max3A_100[15] : f32 from vector<16xf32>
      %eq3A_102 = vector.broadcast %reduce_max3A_101 : f32 to vector<16xf32>
      %eq3A_103 = arith.cmpf oeq, %parallel_loop3A_98#0, %eq3A_102 : vector<16xf32>
      %jit3A_104 = arith.constant 1.000000e+09 : f32
      %broadcast_in_dim3A_105 = vector.broadcast %jit3A_104 : f32 to vector<16xf32>
      %select_n3A_106 = arith.select %eq3A_103, %parallel_loop3A_98#1, %broadcast_in_dim3A_105 : vector<16xi1>, vector<16xf32>
      %reduce_min3A = arith.constant true
      %reduce_min3A_107 = vector.broadcast %reduce_min3A : i1 to vector<16xi1>
      %reduce_min3A_108 = tpu.scan <min>, %select_n3A_106 masked %reduce_min3A_107 : vector<16xf32>, vector<16xi1> -> vector<16xf32>
      %reduce_min3A_109 = vector.extract %reduce_min3A_108[15] : f32 from vector<16xf32>
      %add3A_110 = arith.constant 1 : i32
      %add3A_111 = arith.addi %scan3A_83, %add3A_110 : i32
      %convert_element_type3A_112 = arith.sitofp %add3A_111 : i32 to f32
      %broadcast_in_dim3A_113 = vector.broadcast %convert_element_type3A_112 : f32 to vector<16xf32>
      %lt3A_114 = arith.constant 4 : i32
      %lt3A_115 = vector.broadcast %lt3A_114 : i32 to vector<16xi32>
      %lt3A_116 = arith.cmpi slt, %iota3A, %lt3A_115 : vector<16xi32>
      %ge3A = arith.constant 8 : i32
      %ge3A_117 = vector.broadcast %ge3A : i32 to vector<16xi32>
      %ge3A_118 = arith.cmpi sge, %iota3A, %ge3A_117 : vector<16xi32>
      %lt3A_119 = arith.constant 12 : i32
      %lt3A_120 = vector.broadcast %lt3A_119 : i32 to vector<16xi32>
      %lt3A_121 = arith.cmpi slt, %iota3A, %lt3A_120 : vector<16xi32>
      %and3A_122 = arith.andi %ge3A_118, %lt3A_121 : vector<16xi1>
      %or3A = arith.ori %lt3A_116, %and3A_122 : vector<16xi1>
      %lt3A_123 = arith.constant 8 : i32
      %lt3A_124 = vector.broadcast %lt3A_123 : i32 to vector<16xi32>
      %lt3A_125 = arith.cmpi slt, %iota3A, %lt3A_124 : vector<16xi32>
      %broadcast_in_dim3A_126 = vector.broadcast %reduce_max3A_101 : f32 to vector<16xf32>
      %broadcast_in_dim3A_127 = vector.broadcast %reduce_min3A_109 : f32 to vector<16xf32>
      %select_n3A_128 = arith.select %lt3A_125, %broadcast_in_dim3A_126, %broadcast_in_dim3A_127 : vector<16xi1>, vector<16xf32>
      %select_n3A_129 = arith.select %or3A, %broadcast_in_dim3A_113, %select_n3A_128 : vector<16xi1>, vector<16xf32>
      %swap3A_130 = arith.constant 0 : index
      %swap3A_131 = tpu.vector_load %arg15[%swap3A_130] {strides = array<i32>} : memref<16xf32, #tpu.memory_space<vmem>>, vector<16xf32>,
      tpu.vector_store %arg15[%swap3A_130], %select_n3A_129 {strides = array<i32>} : memref<16xf32, #tpu.memory_space<vmem>>, vector<16xf32>,
      %and3A_132 = arith.constant 1 : i32
      %and3A_133 = arith.andi %scan3A_83, %and3A_132 : i32
      %mul3A_134 = arith.constant 16 : i32
      %mul3A_135 = arith.muli %mul3A_134, %and3A_133 : i32
      %add3A_136 = arith.addi %arg1, %mul3A_135 : i32
      %mul3A_137 = arith.constant 16 : i32
      %mul3A_138 = arith.muli %add3A_136, %mul3A_137 : i32
      "tpu.region"() ({
        %run_scoped3A = tpu.sem_alloc : memref<!tpu.dma_semaphore, #tpu.memory_space<semaphore_mem>>
        %dma_start3A = tpu.memref_slice %arg17[%mul3A_138] : memref<512xf32, #tpu.memory_space<vmem_shared>> -> memref<16xf32, #tpu.memory_space<vmem_shared>>
        %dma_start3A_174 = tpu.memref_slice %arg17[%mul3A_138] : memref<512xf32, #tpu.memory_space<vmem_shared>> -> memref<16xf32, #tpu.memory_space<vmem_shared>>
        tpu.enqueue_dma source(%arg15 : memref<16xf32, #tpu.memory_space<vmem>>) target(%dma_start3A_174 : memref<16xf32, #tpu.memory_space<vmem_shared>>) target_semaphore(%run_scoped3A : memref<!tpu.dma_semaphore, #tpu.memory_space<semaphore_mem>>)
        %dma_wait3A = tpu.memref_slice %arg17[%mul3A_138] : memref<512xf32, #tpu.memory_space<vmem_shared>> -> memref<16xf32, #tpu.memory_space<vmem_shared>>
        %dma_wait3A_175 = tpu.memref_slice %arg17[%mul3A_138] : memref<512xf32, #tpu.memory_space<vmem_shared>> -> memref<16xf32, #tpu.memory_space<vmem_shared>>
        tpu.wait_dma2 semaphore(%run_scoped3A : memref<!tpu.dma_semaphore, #tpu.memory_space<semaphore_mem>>) src(%arg15 : memref<16xf32, #tpu.memory_space<vmem>>) dst(%dma_wait3A_175 : memref<16xf32, #tpu.memory_space<vmem_shared>>)
        tpu.yield
      }) : () -> ()
      %while3A = arith.constant -1.000000e+00 : f32
      %while3A_139 = scf.while (%while3A_174 = %while3A) : (f32) -> f32 {
        %lt3A_175 = arith.cmpf olt, %while3A_174, %convert_element_type3A_112 : f32
        scf.condition(%lt3A_175) %while3A_174 : f32
      } do {
      ^bb0(%while3A_174: f32):
        %xor3A = arith.constant 1 : i32
        %xor3A_175 = arith.xori %arg1, %xor3A : i32
        %mul3A_176 = arith.constant 16 : i32
        %mul3A_177 = arith.muli %mul3A_176, %and3A_133 : i32
        %add3A_178 = arith.addi %xor3A_175, %mul3A_177 : i32
        %mul3A_179 = arith.constant 16 : i32
        %mul3A_180 = arith.muli %add3A_178, %mul3A_179 : i32
        "tpu.region"() ({
          %run_scoped3A = tpu.sem_alloc : memref<!tpu.dma_semaphore, #tpu.memory_space<semaphore_mem>>
          %dma_start3A = tpu.memref_slice %arg17[%mul3A_180] : memref<512xf32, #tpu.memory_space<vmem_shared>> -> memref<16xf32, #tpu.memory_space<vmem_shared>>
          %dma_start3A_190 = tpu.memref_slice %arg17[%mul3A_180] : memref<512xf32, #tpu.memory_space<vmem_shared>> -> memref<16xf32, #tpu.memory_space<vmem_shared>>
          tpu.enqueue_dma source(%dma_start3A_190 : memref<16xf32, #tpu.memory_space<vmem_shared>>) target(%arg16 : memref<16xf32, #tpu.memory_space<vmem>>) target_semaphore(%run_scoped3A : memref<!tpu.dma_semaphore, #tpu.memory_space<semaphore_mem>>)
          %dma_wait3A = tpu.memref_slice %arg17[%mul3A_180] : memref<512xf32, #tpu.memory_space<vmem_shared>> -> memref<16xf32, #tpu.memory_space<vmem_shared>>
          %dma_wait3A_191 = tpu.memref_slice %arg17[%mul3A_180] : memref<512xf32, #tpu.memory_space<vmem_shared>> -> memref<16xf32, #tpu.memory_space<vmem_shared>>
          tpu.wait_dma2 semaphore(%run_scoped3A : memref<!tpu.dma_semaphore, #tpu.memory_space<semaphore_mem>>) src(%dma_wait3A_191 : memref<16xf32, #tpu.memory_space<vmem_shared>>) dst(%arg16 : memref<16xf32, #tpu.memory_space<vmem>>)
          tpu.yield
        }) : () -> ()
        %get3A_181 = arith.constant 0 : index
        %get3A_182 = tpu.vector_load %arg16[%get3A_181] {strides = array<i32>} : memref<16xf32, #tpu.memory_space<vmem>>, vector<16xf32>,
        %jit3A_183 = arith.constant 1.000000e+30 : f32
        %broadcast_in_dim3A_184 = vector.broadcast %jit3A_183 : f32 to vector<16xf32>
        %select_n3A_185 = arith.select %or3A, %get3A_182, %broadcast_in_dim3A_184 : vector<16xi1>, vector<16xf32>
        %reduce_min3A_186 = arith.constant true
        %reduce_min3A_187 = vector.broadcast %reduce_min3A_186 : i1 to vector<16xi1>
        %reduce_min3A_188 = tpu.scan <min>, %select_n3A_185 masked %reduce_min3A_187 : vector<16xf32>, vector<16xi1> -> vector<16xf32>
        %reduce_min3A_189 = vector.extract %reduce_min3A_188[15] : f32 from vector<16xf32>
        scf.yield %reduce_min3A_189 : f32
      }
      %get3A_140 = arith.constant 0 : index
      %get3A_141 = tpu.vector_load %arg16[%get3A_140] {strides = array<i32>} : memref<16xf32, #tpu.memory_space<vmem>>, vector<16xf32>,
      %ge3A_142 = arith.constant 4 : i32
      %ge3A_143 = vector.broadcast %ge3A_142 : i32 to vector<16xi32>
      %ge3A_144 = arith.cmpi sge, %iota3A, %ge3A_143 : vector<16xi32>
      %lt3A_145 = arith.constant 8 : i32
      %lt3A_146 = vector.broadcast %lt3A_145 : i32 to vector<16xi32>
      %lt3A_147 = arith.cmpi slt, %iota3A, %lt3A_146 : vector<16xi32>
      %and3A_148 = arith.andi %ge3A_144, %lt3A_147 : vector<16xi1>
      %jit3A_149 = arith.constant -1.000000e+00 : f32
      %broadcast_in_dim3A_150 = vector.broadcast %jit3A_149 : f32 to vector<16xf32>
      %select_n3A_151 = arith.select %and3A_148, %get3A_141, %broadcast_in_dim3A_150 : vector<16xi1>, vector<16xf32>
      %reduce_max3A_152 = arith.constant true
      %reduce_max3A_153 = vector.broadcast %reduce_max3A_152 : i1 to vector<16xi1>
      %reduce_max3A_154 = tpu.scan <max>, %select_n3A_151 masked %reduce_max3A_153 : vector<16xf32>, vector<16xi1> -> vector<16xf32>
      %reduce_max3A_155 = vector.extract %reduce_max3A_154[15] : f32 from vector<16xf32>
      %ge3A_156 = arith.constant 12 : i32
      %ge3A_157 = vector.broadcast %ge3A_156 : i32 to vector<16xi32>
      %ge3A_158 = arith.cmpi sge, %iota3A, %ge3A_157 : vector<16xi32>
      %jit3A_159 = arith.constant -1.000000e+00 : f32
      %broadcast_in_dim3A_160 = vector.broadcast %jit3A_159 : f32 to vector<16xf32>
      %select_n3A_161 = arith.select %ge3A_158, %get3A_141, %broadcast_in_dim3A_160 : vector<16xi1>, vector<16xf32>
      %reduce_max3A_162 = arith.constant true
      %reduce_max3A_163 = vector.broadcast %reduce_max3A_162 : i1 to vector<16xi1>
      %reduce_max3A_164 = tpu.scan <max>, %select_n3A_161 masked %reduce_max3A_163 : vector<16xf32>, vector<16xi1> -> vector<16xf32>
      %reduce_max3A_165 = vector.extract %reduce_max3A_164[15] : f32 from vector<16xf32>
      %gt3A = arith.cmpf ogt, %reduce_max3A_155, %reduce_max3A_101 : f32
      %eq3A_166 = arith.cmpf oeq, %reduce_max3A_155, %reduce_max3A_101 : f32
      %eq3A_167 = arith.constant 1 : i32
      %eq3A_168 = arith.cmpi eq, %select_n3A_30, %eq3A_167 : i32
      %and3A_169 = arith.andi %eq3A_166, %eq3A_168 : i1
      %or3A_170 = arith.ori %gt3A, %and3A_169 : i1
      %select_n3A_171 = arith.select %or3A_170, %reduce_max3A_165, %reduce_min3A_109 : f32
      %broadcast_in_dim3A_172 = vector.broadcast %select_n3A_171 : f32 to vector<16xf32>
      %convert_element_type3A_173 = arith.fptosi %broadcast_in_dim3A_172 : vector<16xf32> to vector<16xi32>
      scf.yield %convert_element_type3A_173 : vector<16xi32>
    }
    %scan3A_62 = arith.constant 2048 : i32
    %scan3A_63 = arith.constant 0 : i32
    %scan3A_64 = arith.constant 0 : i32
    %scan3A_65 = arith.constant 64 : i32
    %scan3A_66 = arith.addi %scan3A_64, %scan3A_65 : i32
    %scan3A_67 = arith.constant 1 : i32
    scf.for %scan3A_83 = %scan3A_64 to %scan3A_66 step %scan3A_67  : i32 {
      %mul3A_84 = arith.constant 128 : i32
      %mul3A_85 = arith.muli %mul3A_84, %add3A : i32
      %mul3A_86 = arith.constant 64 : i32
      %mul3A_87 = arith.muli %mul3A_86, %select_n3A_30 : i32
      %add3A_88 = arith.addi %mul3A_85, %mul3A_87 : i32
      %add3A_89 = arith.addi %add3A_88, %scan3A_83 : i32
      "tpu.region"() ({
        %run_scoped3A = tpu.sem_alloc : memref<!tpu.dma_semaphore, #tpu.memory_space<semaphore_mem>>
        %dma_start3A = arith.constant 0 : i32
        %dma_start3A_99 = tpu.memref_slice %arg3[%add3A_89, %dma_start3A] : memref<2048x4096xf32, #tpu.memory_space<hbm>> -> memref<1x4096xf32, #tpu.memory_space<hbm>>
        %dma_start3A_100 = tpu.memref_squeeze %dma_start3A_99 : memref<1x4096xf32, #tpu.memory_space<hbm>> -> memref<4096xf32, #tpu.memory_space<hbm>>
        %dma_start3A_101 = arith.constant 0 : i32
        %dma_start3A_102 = tpu.memref_slice %arg3[%add3A_89, %dma_start3A_101] : memref<2048x4096xf32, #tpu.memory_space<hbm>> -> memref<1x4096xf32, #tpu.memory_space<hbm>>
        %dma_start3A_103 = tpu.memref_squeeze %dma_start3A_102 : memref<1x4096xf32, #tpu.memory_space<hbm>> -> memref<4096xf32, #tpu.memory_space<hbm>>
        tpu.enqueue_dma source(%dma_start3A_103 : memref<4096xf32, #tpu.memory_space<hbm>>) target(%arg13 : memref<4096xf32, #tpu.memory_space<vmem>>) target_semaphore(%run_scoped3A : memref<!tpu.dma_semaphore, #tpu.memory_space<semaphore_mem>>)
        %dma_wait3A = arith.constant 0 : i32
        %dma_wait3A_104 = tpu.memref_slice %arg3[%add3A_89, %dma_wait3A] : memref<2048x4096xf32, #tpu.memory_space<hbm>> -> memref<1x4096xf32, #tpu.memory_space<hbm>>
        %dma_wait3A_105 = tpu.memref_squeeze %dma_wait3A_104 : memref<1x4096xf32, #tpu.memory_space<hbm>> -> memref<4096xf32, #tpu.memory_space<hbm>>
        %dma_wait3A_106 = arith.constant 0 : i32
        %dma_wait3A_107 = tpu.memref_slice %arg3[%add3A_89, %dma_wait3A_106] : memref<2048x4096xf32, #tpu.memory_space<hbm>> -> memref<1x4096xf32, #tpu.memory_space<hbm>>
        %dma_wait3A_108 = tpu.memref_squeeze %dma_wait3A_107 : memref<1x4096xf32, #tpu.memory_space<hbm>> -> memref<4096xf32, #tpu.memory_space<hbm>>
        tpu.wait_dma2 semaphore(%run_scoped3A : memref<!tpu.dma_semaphore, #tpu.memory_space<semaphore_mem>>) src(%dma_wait3A_108 : memref<4096xf32, #tpu.memory_space<hbm>>) dst(%arg13 : memref<4096xf32, #tpu.memory_space<vmem>>)
        tpu.yield
      }) : () -> ()
      %parallel_loop3A_90 = arith.constant 0 : i32
      %parallel_loop3A_91 = arith.constant 128 : i32
      %parallel_loop3A_92 = arith.constant 1 : i32
      scf.for %parallel_loop3A_99 = %parallel_loop3A_90 to %parallel_loop3A_91 step %parallel_loop3A_92  : i32 {
        %parallel_loop3A_100 = arith.constant 16 : i32
        %parallel_loop3A_101 = arith.muli %parallel_loop3A_99, %parallel_loop3A_100 : i32
        %parallel_loop3A_102 = arith.index_cast %parallel_loop3A_101 : i32 to index
        %parallel_loop3A_103 = tpu.vector_load %arg11[%parallel_loop3A_102] {strides = array<i32>} : memref<2048xi32, #tpu.memory_space<vmem>>, vector<16xi32>,
        %parallel_loop3A_104 = tpu.vector_load_idx %arg13[%parallel_loop3A_103] : memref<4096xf32, #tpu.memory_space<vmem>>[vector<16xi32>], vector<16xf32>,
        %parallel_loop3A_105 = arith.index_cast %parallel_loop3A_101 : i32 to index
        %parallel_loop3A_106 = tpu.vector_load %arg14[%parallel_loop3A_105] {strides = array<i32>} : memref<2048xf32, #tpu.memory_space<vmem>>, vector<16xf32>,
        tpu.vector_store %arg14[%parallel_loop3A_105], %parallel_loop3A_104 {strides = array<i32>} : memref<2048xf32, #tpu.memory_space<vmem>>, vector<16xf32>,
      } {sc.loop_unroll_factor = 8 : i64, sc.parallel_access}
      %mul3A_93 = arith.constant 128 : i32
      %mul3A_94 = arith.muli %mul3A_93, %add3A : i32
      %mul3A_95 = arith.constant 64 : i32
      %mul3A_96 = arith.muli %mul3A_95, %select_n3A_30 : i32
      %add3A_97 = arith.addi %mul3A_94, %mul3A_96 : i32
      %add3A_98 = arith.addi %add3A_97, %scan3A_83 : i32
      "tpu.region"() ({
        %run_scoped3A = tpu.sem_alloc : memref<!tpu.dma_semaphore, #tpu.memory_space<semaphore_mem>>
        %dma_start3A = arith.constant 0 : i32
        %dma_start3A_99 = tpu.memref_slice %arg6[%add3A_98, %dma_start3A] : memref<2048x2048xf32, #tpu.memory_space<hbm>> -> memref<1x2048xf32, #tpu.memory_space<hbm>>
        %dma_start3A_100 = tpu.memref_squeeze %dma_start3A_99 : memref<1x2048xf32, #tpu.memory_space<hbm>> -> memref<2048xf32, #tpu.memory_space<hbm>>
        %dma_start3A_101 = arith.constant 0 : i32
        %dma_start3A_102 = tpu.memref_slice %arg6[%add3A_98, %dma_start3A_101] : memref<2048x2048xf32, #tpu.memory_space<hbm>> -> memref<1x2048xf32, #tpu.memory_space<hbm>>
        %dma_start3A_103 = tpu.memref_squeeze %dma_start3A_102 : memref<1x2048xf32, #tpu.memory_space<hbm>> -> memref<2048xf32, #tpu.memory_space<hbm>>
        tpu.enqueue_dma source(%arg14 : memref<2048xf32, #tpu.memory_space<vmem>>) target(%dma_start3A_103 : memref<2048xf32, #tpu.memory_space<hbm>>) target_semaphore(%run_scoped3A : memref<!tpu.dma_semaphore, #tpu.memory_space<semaphore_mem>>)
        %dma_wait3A = arith.constant 0 : i32
        %dma_wait3A_104 = tpu.memref_slice %arg6[%add3A_98, %dma_wait3A] : memref<2048x2048xf32, #tpu.memory_space<hbm>> -> memref<1x2048xf32, #tpu.memory_space<hbm>>
        %dma_wait3A_105 = tpu.memref_squeeze %dma_wait3A_104 : memref<1x2048xf32, #tpu.memory_space<hbm>> -> memref<2048xf32, #tpu.memory_space<hbm>>
        %dma_wait3A_106 = arith.constant 0 : i32
        %dma_wait3A_107 = tpu.memref_slice %arg6[%add3A_98, %dma_wait3A_106] : memref<2048x2048xf32, #tpu.memory_space<hbm>> -> memref<1x2048xf32, #tpu.memory_space<hbm>>
        %dma_wait3A_108 = tpu.memref_squeeze %dma_wait3A_107 : memref<1x2048xf32, #tpu.memory_space<hbm>> -> memref<2048xf32, #tpu.memory_space<hbm>>
        tpu.wait_dma2 semaphore(%run_scoped3A : memref<!tpu.dma_semaphore, #tpu.memory_space<semaphore_mem>>) src(%arg14 : memref<2048xf32, #tpu.memory_space<vmem>>) dst(%dma_wait3A_108 : memref<2048xf32, #tpu.memory_space<hbm>>)
        tpu.yield
      }) : () -> ()
    }
    %scan3A_68 = arith.constant 64 : i32
    %eq3A_69 = arith.constant 0 : i32
    %eq3A_70 = arith.cmpi eq, %select_n3A_30, %eq3A_69 : i32
    %convert_element_type3A_71 = arith.extui %eq3A_70 : i1 to i32
    %cond3A = arith.constant 0 : i32
    %cond3A_72 = arith.cmpi ne, %convert_element_type3A_71, %cond3A : i32
    scf.if %cond3A_72 {
      %parallel_loop3A_83 = arith.constant 0 : i32
      %parallel_loop3A_84 = arith.constant 128 : i32
      %parallel_loop3A_85 = arith.constant 1 : i32
      scf.for %parallel_loop3A_90 = %parallel_loop3A_83 to %parallel_loop3A_84 step %parallel_loop3A_85  : i32 {
        %parallel_loop3A_91 = arith.constant 16 : i32
        %parallel_loop3A_92 = arith.muli %parallel_loop3A_90, %parallel_loop3A_91 : i32
        %parallel_loop3A_93 = arith.index_cast %parallel_loop3A_92 : i32 to index
        %parallel_loop3A_94 = tpu.vector_load %arg11[%parallel_loop3A_93] {strides = array<i32>} : memref<2048xi32, #tpu.memory_space<vmem>>, vector<16xi32>,
        %parallel_loop3A_95 = tpu.vector_load_idx %arg7[%parallel_loop3A_94] : memref<4096xf32, #tpu.memory_space<vmem>>[vector<16xi32>], vector<16xf32>,
        %parallel_loop3A_96 = arith.index_cast %parallel_loop3A_92 : i32 to index
        %parallel_loop3A_97 = tpu.vector_load %arg14[%parallel_loop3A_96] {strides = array<i32>} : memref<2048xf32, #tpu.memory_space<vmem>>, vector<16xf32>,
        tpu.vector_store %arg14[%parallel_loop3A_96], %parallel_loop3A_95 {strides = array<i32>} : memref<2048xf32, #tpu.memory_space<vmem>>, vector<16xf32>,
      } {sc.loop_unroll_factor = 8 : i64, sc.parallel_access}
      %mul3A_86 = arith.constant 3 : i32
      %mul3A_87 = arith.muli %mul3A_86, %add3A : i32
      %add3A_88 = arith.constant 0 : i32
      %add3A_89 = arith.addi %mul3A_87, %add3A_88 : i32
      "tpu.region"() ({
        %run_scoped3A = tpu.sem_alloc : memref<!tpu.dma_semaphore, #tpu.memory_space<semaphore_mem>>
        %dma_start3A = arith.constant 0 : i32
        %dma_start3A_90 = tpu.memref_slice %arg5[%add3A_89, %dma_start3A] : memref<48x2048xf32, #tpu.memory_space<hbm>> -> memref<1x2048xf32, #tpu.memory_space<hbm>>
        %dma_start3A_91 = tpu.memref_squeeze %dma_start3A_90 : memref<1x2048xf32, #tpu.memory_space<hbm>> -> memref<2048xf32, #tpu.memory_space<hbm>>
        %dma_start3A_92 = arith.constant 0 : i32
        %dma_start3A_93 = tpu.memref_slice %arg5[%add3A_89, %dma_start3A_92] : memref<48x2048xf32, #tpu.memory_space<hbm>> -> memref<1x2048xf32, #tpu.memory_space<hbm>>
        %dma_start3A_94 = tpu.memref_squeeze %dma_start3A_93 : memref<1x2048xf32, #tpu.memory_space<hbm>> -> memref<2048xf32, #tpu.memory_space<hbm>>
        tpu.enqueue_dma source(%arg14 : memref<2048xf32, #tpu.memory_space<vmem>>) target(%dma_start3A_94 : memref<2048xf32, #tpu.memory_space<hbm>>) target_semaphore(%run_scoped3A : memref<!tpu.dma_semaphore, #tpu.memory_space<semaphore_mem>>)
        %dma_wait3A = arith.constant 0 : i32
        %dma_wait3A_95 = tpu.memref_slice %arg5[%add3A_89, %dma_wait3A] : memref<48x2048xf32, #tpu.memory_space<hbm>> -> memref<1x2048xf32, #tpu.memory_space<hbm>>
        %dma_wait3A_96 = tpu.memref_squeeze %dma_wait3A_95 : memref<1x2048xf32, #tpu.memory_space<hbm>> -> memref<2048xf32, #tpu.memory_space<hbm>>
        %dma_wait3A_97 = arith.constant 0 : i32
        %dma_wait3A_98 = tpu.memref_slice %arg5[%add3A_89, %dma_wait3A_97] : memref<48x2048xf32, #tpu.memory_space<hbm>> -> memref<1x2048xf32, #tpu.memory_space<hbm>>
        %dma_wait3A_99 = tpu.memref_squeeze %dma_wait3A_98 : memref<1x2048xf32, #tpu.memory_space<hbm>> -> memref<2048xf32, #tpu.memory_space<hbm>>
        tpu.wait_dma2 semaphore(%run_scoped3A : memref<!tpu.dma_semaphore, #tpu.memory_space<semaphore_mem>>) src(%arg14 : memref<2048xf32, #tpu.memory_space<vmem>>) dst(%dma_wait3A_99 : memref<2048xf32, #tpu.memory_space<hbm>>)
        tpu.yield
      }) : () -> ()
    } else {
    }
    %eq3A_73 = arith.constant 0 : i32
    %eq3A_74 = arith.cmpi eq, %select_n3A_30, %eq3A_73 : i32
    %convert_element_type3A_75 = arith.extui %eq3A_74 : i1 to i32
    %cond3A_76 = arith.constant 0 : i32
    %cond3A_77 = arith.cmpi ne, %convert_element_type3A_75, %cond3A_76 : i32
    scf.if %cond3A_77 {
      %parallel_loop3A_83 = arith.constant 0 : i32
      %parallel_loop3A_84 = arith.constant 128 : i32
      %parallel_loop3A_85 = arith.constant 1 : i32
      scf.for %parallel_loop3A_90 = %parallel_loop3A_83 to %parallel_loop3A_84 step %parallel_loop3A_85  : i32 {
        %parallel_loop3A_91 = arith.constant 16 : i32
        %parallel_loop3A_92 = arith.muli %parallel_loop3A_90, %parallel_loop3A_91 : i32
        %parallel_loop3A_93 = arith.index_cast %parallel_loop3A_92 : i32 to index
        %parallel_loop3A_94 = tpu.vector_load %arg11[%parallel_loop3A_93] {strides = array<i32>} : memref<2048xi32, #tpu.memory_space<vmem>>, vector<16xi32>,
        %parallel_loop3A_95 = tpu.vector_load_idx %arg8[%parallel_loop3A_94] : memref<4096xf32, #tpu.memory_space<vmem>>[vector<16xi32>], vector<16xf32>,
        %parallel_loop3A_96 = arith.index_cast %parallel_loop3A_92 : i32 to index
        %parallel_loop3A_97 = tpu.vector_load %arg14[%parallel_loop3A_96] {strides = array<i32>} : memref<2048xf32, #tpu.memory_space<vmem>>, vector<16xf32>,
        tpu.vector_store %arg14[%parallel_loop3A_96], %parallel_loop3A_95 {strides = array<i32>} : memref<2048xf32, #tpu.memory_space<vmem>>, vector<16xf32>,
      } {sc.loop_unroll_factor = 8 : i64, sc.parallel_access}
      %mul3A_86 = arith.constant 3 : i32
      %mul3A_87 = arith.muli %mul3A_86, %add3A : i32
      %add3A_88 = arith.constant 1 : i32
      %add3A_89 = arith.addi %mul3A_87, %add3A_88 : i32
      "tpu.region"() ({
        %run_scoped3A = tpu.sem_alloc : memref<!tpu.dma_semaphore, #tpu.memory_space<semaphore_mem>>
        %dma_start3A = arith.constant 0 : i32
        %dma_start3A_90 = tpu.memref_slice %arg5[%add3A_89, %dma_start3A] : memref<48x2048xf32, #tpu.memory_space<hbm>> -> memref<1x2048xf32, #tpu.memory_space<hbm>>
        %dma_start3A_91 = tpu.memref_squeeze %dma_start3A_90 : memref<1x2048xf32, #tpu.memory_space<hbm>> -> memref<2048xf32, #tpu.memory_space<hbm>>
        %dma_start3A_92 = arith.constant 0 : i32
        %dma_start3A_93 = tpu.memref_slice %arg5[%add3A_89, %dma_start3A_92] : memref<48x2048xf32, #tpu.memory_space<hbm>> -> memref<1x2048xf32, #tpu.memory_space<hbm>>
        %dma_start3A_94 = tpu.memref_squeeze %dma_start3A_93 : memref<1x2048xf32, #tpu.memory_space<hbm>> -> memref<2048xf32, #tpu.memory_space<hbm>>
        tpu.enqueue_dma source(%arg14 : memref<2048xf32, #tpu.memory_space<vmem>>) target(%dma_start3A_94 : memref<2048xf32, #tpu.memory_space<hbm>>) target_semaphore(%run_scoped3A : memref<!tpu.dma_semaphore, #tpu.memory_space<semaphore_mem>>)
        %dma_wait3A = arith.constant 0 : i32
        %dma_wait3A_95 = tpu.memref_slice %arg5[%add3A_89, %dma_wait3A] : memref<48x2048xf32, #tpu.memory_space<hbm>> -> memref<1x2048xf32, #tpu.memory_space<hbm>>
        %dma_wait3A_96 = tpu.memref_squeeze %dma_wait3A_95 : memref<1x2048xf32, #tpu.memory_space<hbm>> -> memref<2048xf32, #tpu.memory_space<hbm>>
        %dma_wait3A_97 = arith.constant 0 : i32
        %dma_wait3A_98 = tpu.memref_slice %arg5[%add3A_89, %dma_wait3A_97] : memref<48x2048xf32, #tpu.memory_space<hbm>> -> memref<1x2048xf32, #tpu.memory_space<hbm>>
        %dma_wait3A_99 = tpu.memref_squeeze %dma_wait3A_98 : memref<1x2048xf32, #tpu.memory_space<hbm>> -> memref<2048xf32, #tpu.memory_space<hbm>>
        tpu.wait_dma2 semaphore(%run_scoped3A : memref<!tpu.dma_semaphore, #tpu.memory_space<semaphore_mem>>) src(%arg14 : memref<2048xf32, #tpu.memory_space<vmem>>) dst(%dma_wait3A_99 : memref<2048xf32, #tpu.memory_space<hbm>>)
        tpu.yield
      }) : () -> ()
    } else {
    }
    %eq3A_78 = arith.constant 1 : i32
    %eq3A_79 = arith.cmpi eq, %select_n3A_30, %eq3A_78 : i32
    %convert_element_type3A_80 = arith.extui %eq3A_79 : i1 to i32
    %cond3A_81 = arith.constant 0 : i32
    %cond3A_82 = arith.cmpi ne, %convert_element_type3A_80, %cond3A_81 : i32
    scf.if %cond3A_82 {
      %parallel_loop3A_83 = arith.constant 0 : i32
      %parallel_loop3A_84 = arith.constant 128 : i32
      %parallel_loop3A_85 = arith.constant 1 : i32
      scf.for %parallel_loop3A_90 = %parallel_loop3A_83 to %parallel_loop3A_84 step %parallel_loop3A_85  : i32 {
        %parallel_loop3A_91 = arith.constant 16 : i32
        %parallel_loop3A_92 = arith.muli %parallel_loop3A_90, %parallel_loop3A_91 : i32
        %parallel_loop3A_93 = arith.index_cast %parallel_loop3A_92 : i32 to index
        %parallel_loop3A_94 = tpu.vector_load %arg11[%parallel_loop3A_93] {strides = array<i32>} : memref<2048xi32, #tpu.memory_space<vmem>>, vector<16xi32>,
        %parallel_loop3A_95 = tpu.vector_load_idx %arg9[%parallel_loop3A_94] : memref<4096xf32, #tpu.memory_space<vmem>>[vector<16xi32>], vector<16xf32>,
        %parallel_loop3A_96 = arith.index_cast %parallel_loop3A_92 : i32 to index
        %parallel_loop3A_97 = tpu.vector_load %arg14[%parallel_loop3A_96] {strides = array<i32>} : memref<2048xf32, #tpu.memory_space<vmem>>, vector<16xf32>,
        tpu.vector_store %arg14[%parallel_loop3A_96], %parallel_loop3A_95 {strides = array<i32>} : memref<2048xf32, #tpu.memory_space<vmem>>, vector<16xf32>,
      } {sc.loop_unroll_factor = 8 : i64, sc.parallel_access}
      %mul3A_86 = arith.constant 3 : i32
      %mul3A_87 = arith.muli %mul3A_86, %add3A : i32
      %add3A_88 = arith.constant 2 : i32
      %add3A_89 = arith.addi %mul3A_87, %add3A_88 : i32
      "tpu.region"() ({
        %run_scoped3A = tpu.sem_alloc : memref<!tpu.dma_semaphore, #tpu.memory_space<semaphore_mem>>
        %dma_start3A = arith.constant 0 : i32
        %dma_start3A_90 = tpu.memref_slice %arg5[%add3A_89, %dma_start3A] : memref<48x2048xf32, #tpu.memory_space<hbm>> -> memref<1x2048xf32, #tpu.memory_space<hbm>>
        %dma_start3A_91 = tpu.memref_squeeze %dma_start3A_90 : memref<1x2048xf32, #tpu.memory_space<hbm>> -> memref<2048xf32, #tpu.memory_space<hbm>>
        %dma_start3A_92 = arith.constant 0 : i32
        %dma_start3A_93 = tpu.memref_slice %arg5[%add3A_89, %dma_start3A_92] : memref<48x2048xf32, #tpu.memory_space<hbm>> -> memref<1x2048xf32, #tpu.memory_space<hbm>>
        %dma_start3A_94 = tpu.memref_squeeze %dma_start3A_93 : memref<1x2048xf32, #tpu.memory_space<hbm>> -> memref<2048xf32, #tpu.memory_space<hbm>>
        tpu.enqueue_dma source(%arg14 : memref<2048xf32, #tpu.memory_space<vmem>>) target(%dma_start3A_94 : memref<2048xf32, #tpu.memory_space<hbm>>) target_semaphore(%run_scoped3A : memref<!tpu.dma_semaphore, #tpu.memory_space<semaphore_mem>>)
        %dma_wait3A = arith.constant 0 : i32
        %dma_wait3A_95 = tpu.memref_slice %arg5[%add3A_89, %dma_wait3A] : memref<48x2048xf32, #tpu.memory_space<hbm>> -> memref<1x2048xf32, #tpu.memory_space<hbm>>
        %dma_wait3A_96 = tpu.memref_squeeze %dma_wait3A_95 : memref<1x2048xf32, #tpu.memory_space<hbm>> -> memref<2048xf32, #tpu.memory_space<hbm>>
        %dma_wait3A_97 = arith.constant 0 : i32
        %dma_wait3A_98 = tpu.memref_slice %arg5[%add3A_89, %dma_wait3A_97] : memref<48x2048xf32, #tpu.memory_space<hbm>> -> memref<1x2048xf32, #tpu.memory_space<hbm>>
        %dma_wait3A_99 = tpu.memref_squeeze %dma_wait3A_98 : memref<1x2048xf32, #tpu.memory_space<hbm>> -> memref<2048xf32, #tpu.memory_space<hbm>>
        tpu.wait_dma2 semaphore(%run_scoped3A : memref<!tpu.dma_semaphore, #tpu.memory_space<semaphore_mem>>) src(%arg14 : memref<2048xf32, #tpu.memory_space<vmem>>) dst(%dma_wait3A_99 : memref<2048xf32, #tpu.memory_space<hbm>>)
        tpu.yield
      }) : () -> ()
    } else {
    }
    return
  }
}

</mosaic_0001>

<sc_bundles>
// kernel: fps_subsample_sc.3.cloned.1.call-start
scs
__scs_entry_jumppad:
0x0: {  	(pc) =	sbr.rel $0x88, $3  }
0x1: {  	(tag) =	ssettag $0x0;
	lr =	simm.s32 $0x1  }
0x2: {  	[smem:$0x3F9E] =	sst lr;
	_ =	strace $0xD0000000  }
0x3: {  	_ = 	snop  }
0x4: {  	_ = 	snop  }
0x5: {  	_ = 	snop  }
0x6: {  	_ = 	snop  }
0x7: {  	_ = 	snop  }
__scs_overlays_trampoline_lowered:
0x8: {  	[smem:$0x3FAD] =	sst s0  }
0x9: {  	[smem:$0x3FAE] =	sst s1  }
0xa: {  	[smem:$0x3FAF] =	sst s2  }
0xb: {  	[smem:$0x3FB0] =	sst s3  }
0xc: {  	[smem:$0x3FB1] =	sst s4  }
0xd: {  	[smem:$0x3FB2] =	sst s5  }
0xe: {  	[smem:$0x3FB3] =	sst s6  }
0xf: {  	[smem:$0x3FB4] =	sst s7  }
0x10: {  	[smem:$0x3FB5] =	sst s8  }
0x11: {  	[smem:$0x3FB6] =	sst s9;
	s0 =	simm.s32 @!p0 $0x0  }
0x12: {  	s1 =	sld [smem:$0x3F9C];
	s0 =	simm.s32 @p0 $0x1  }
0x13: {  	[smem:$0x3FB7] =	sst s0;
	s0 =	simm.s32 @!p1 $0x0  }
0x14: {  	s2 =	sld [smem:$0x3F9B];
	s0 =	simm.s32 @p1 $0x1  }
0x15: {  	[smem:$0x3FB8] =	sst s0;
	s0 =	simm.s32 @!p2 $0x0  }
0x16: {  	s3 =	sld [smem:$0x3FDB];
	s0 =	simm.s32 @p2 $0x1  }
0x17: {  	s4 =	simm.s32 $0x1BF5;
	[smem:$0x3FBA] =	sst s0  }
0x18: {  	s0 =	sld [smem:$0x3F9D];
	_ =	swait.ge [sflag:s4], $0x0  }
0x19: {  	s7 =	sld [smem:$0x3F9E]  }
0x1a: {  	s8 =	sadd.s32 $0xFFFFE003, lr  }
0x1b: {  	s9 =	sadd.s32 $0xFFFFFEF7, lr;
	s5 =	simm.s32 $0xFFFFFFFF;
	p2 =	slt.u32 s8, $0xFFFFF086  }
0x1c: {  	p1 =	slt.u32 s9, $0xF7A;
	s5 =	simm.s32 @!p2 $0x0  }
0x1d: {  	s5 =	simm.s32 @p1 $0x1;
	p0 =	seq.s32 s7, s2  }
0x1e: {  	s7 =	smul.u32 @!p0 $0xF7A, s2;
	p2 =	seq.s32 @!p0 s5, $0x0  }
0x1f: {  	s9 =	smul.u32 $0xF7A, s1;
	s8 =	simm.s32 @!p0 $0x1BF5;
	p2 =	por !p2, p0  }
0x20: {  	[sflag:s8] =	ssyncset.s32 @!p0 $0xFFFFF086;
	s6 =	sadd.s32 @!p0 s3, s7;
	s7 =	simm.s32 @!p0 $0x108  }
0x21: {  	s3 =	sadd.s32 s3, s9;
	s6 =	sadd.s32 @!p0 $0x88, s6;
	s7 =	simm.s32 @p2 $0x1082  }
0x22: {  	[simem:s7], [sflag:s8] =	dma.local @!p0 [hbm:s6], $0xF7A  }
0x23: {  	s9 =	sor.u32 $0xD0000000, s2;
	s6 =	simm.s32 $0x108;
	_ =	swait.ge @!p0 [sflag:s8], $0x0  }
0x24: {  	s3 =	sadd.s32 $0x88, s3;
	s6 =	simm.s32 @!p1 $0x1082;
	[sflag:s4] =	ssyncset.s32 $0xFFFFF086  }
0x25: {  	[simem:s6], [sflag:s4] =	dma.local [hbm:s3], $0xF7A  }
0x26: {  	[smem:$0x3F9E] =	sst s1;
	(tag) =	ssettag s2;
	_ =	strace s9  }
0x27: {  	s1 =	sld [smem:$0x3FAE]  }
0x28: {  	s2 =	sld [smem:$0x3FAF]  }
0x29: {  	s4 =	sld [smem:$0x3FB1]  }
0x2a: {  	p0 =	seq.s32 s5, $0x0;
	s5 =	sld [smem:$0x3FB2]  }
0x2b: {  	s6 =	sld [smem:$0x3FB3]  }
0x2c: {  	s7 =	sld [smem:$0x3FB4]  }
0x2d: {  	s3 =	simm.s32 $0x108;
	s8 =	sld [smem:$0x3FB5]  }
0x2e: {  	s3 =	simm.s32 @!p0 $0x1082;
	s9 =	sld [smem:$0x3FB6]  }
0x2f: {  	lr =	sadd.s32 s0, s3;
	s0 =	sld [smem:$0x3FAD]  }
0x30: {  	s3 =	sld [smem:$0x3FB0]  }
0x31: {  	[smem:$0x3FB9] =	sst s10  }
0x32: {  	s10 =	sld [smem:$0x3FB7];
	_ =	sdelay $0x3  }
0x33: {  	p0 =	seq.s32 s10, $0x1;
	s10 =	sld [smem:$0x3FB9];
	_ =	sdelay $0x3  }
0x34: {  	[smem:$0x3FB9] =	sst s10  }
0x35: {  	s10 =	sld [smem:$0x3FB8];
	_ =	sdelay $0x3  }
0x36: {  	p1 =	seq.s32 s10, $0x1;
	s10 =	sld [smem:$0x3FB9];
	_ =	sdelay $0x3  }
0x37: {  	[smem:$0x3FB9] =	sst s10  }
0x38: {  	s10 =	sld [smem:$0x3FBA]  }
0x39: {  	_ = 	snop;
	(pc) =	sbr.ind lr, $3  }
0x3a: {  	_ = 	snop  }
0x3b: {  	_ = 	snop  }
0x3c: {  	p2 =	seq.s32 s10, $0x1;
	s10 =	sld [smem:$0x3FB9]  }
0x3d: {  	_ =	shalt  }
0x3e: {  	_ =	shalt  }
0x3f: {  	_ =	shalt  }
0x40: {  	_ =	shalt  }
0x41: {  	_ =	shalt  }
0x42: {  	_ =	shalt  }
0x43: {  	_ =	shalt  }
0x44: {  	_ =	shalt  }
0x45: {  	_ =	shalt  }
0x46: {  	_ =	shalt  }
0x47: {  	_ =	shalt  }
0x48: {  	_ =	shalt  }
0x49: {  	_ =	shalt  }
0x4a: {  	_ =	shalt  }
0x4b: {  	_ =	shalt  }
0x4c: {  	_ =	shalt  }
0x4d: {  	_ =	shalt  }
0x4e: {  	_ =	shalt  }
0x4f: {  	_ =	shalt  }
0x50: {  	_ =	shalt  }
0x51: {  	_ =	shalt  }
0x52: {  	_ =	shalt  }
0x53: {  	_ =	shalt  }
0x54: {  	_ =	shalt  }
0x55: {  	_ =	shalt  }
0x56: {  	_ =	shalt  }
0x57: {  	_ =	shalt  }
0x58: {  	_ =	shalt  }
0x59: {  	_ =	shalt  }
0x5a: {  	_ =	shalt  }
0x5b: {  	_ =	shalt  }
0x5c: {  	_ =	shalt  }
0x5d: {  	_ =	shalt  }
0x5e: {  	_ =	shalt  }
0x5f: {  	_ =	shalt  }
0x60: {  	_ =	shalt  }
0x61: {  	_ =	shalt  }
0x62: {  	_ =	shalt  }
0x63: {  	_ =	shalt  }
0x64: {  	_ =	shalt  }
0x65: {  	_ =	shalt  }
0x66: {  	_ =	shalt  }
0x67: {  	_ =	shalt  }
0x68: {  	_ =	shalt  }
0x69: {  	_ =	shalt  }
0x6a: {  	_ =	shalt  }
0x6b: {  	_ =	shalt  }
0x6c: {  	_ =	shalt  }
0x6d: {  	_ =	shalt  }
0x6e: {  	_ =	shalt  }
0x6f: {  	_ =	shalt  }
0x70: {  	_ =	shalt  }
0x71: {  	_ =	shalt  }
0x72: {  	_ =	shalt  }
0x73: {  	_ =	shalt  }
0x74: {  	_ =	shalt  }
0x75: {  	_ =	shalt  }
0x76: {  	_ =	shalt  }
0x77: {  	_ =	shalt  }
0x78: {  	_ =	shalt  }
0x79: {  	_ =	shalt  }
0x7a: {  	_ =	shalt  }
0x7b: {  	_ =	shalt  }
0x7c: {  	_ =	shalt  }
0x7d: {  	_ =	shalt  }
0x7e: {  	_ =	shalt  }
0x7f: {  	_ =	shalt  }
0x80: {  	_ =	shalt  }
0x81: {  	_ =	shalt  }
0x82: {  	_ =	shalt  }
0x83: {  	_ =	shalt  }
0x84: {  	_ =	shalt  }
0x85: {  	_ =	shalt  }
0x86: {  	_ =	shalt  }
0x87: {  	_ =	shalt  }
.Lfunc_end0:
.L_simem_size_0:
called_computation_lowered:
.L_overlay_start_0:
0x88: {  	s2 =	sld [smem:$0x3FD9]  }
0x89: {  	s3 =	sld [smem:$0x3FFE];
	_ =	sdelay $0x1  }
0x8a: {  	s1 =	srdreg.scid  }
0x8b: {  	s0 =	sand.u32 $0x1, s1  }
0x8c: {  	s15 =	sshll.u32 s0, $0xA;
	s2 =	sadd.s32 s3, s2  }
0x8d: {  	s2 =	sadd.s32 s2, s15  }
0x8e: {  	[smem:$0x3FC5] =	sst s2  }
0x8f: {  	_ = 	snop  }
0x90: {  	s2 =	sld [smem:$0x3FD0]  }
0x91: {  	s16 =	sld [smem:$0x3FC9]  }
0x92: {  	s4 =	sld [smem:$0x3FC8]  }
0x93: {  	s6 =	simm.s32 $0xA;
	s7 =	simm.s32 $0x10;
	s5 =	sld [smem:$0x3FC7]  }
0x94: {  	[smem:s7], [sflag:s6] =	dma.local [hbm:s2], $0x1  }
0x95: {  	_ =	swait.eq [sflag:s6], $0x1  }
0x96: {  	[sflag:s6] =	ssyncset.done $0x0  }
0x97: {  	s17 =	sld [smem:$0x10];
	[sflag:s6] =	ssyncadd.s32 $0xFFFFFFFF  }
0x98: {  	s18 =	sld [smem:$0x11];
	(tm) =	ssettm $0x1  }
0x99: {  	s19 =	sld [smem:$0x3FFB];
	_ =	sdelay $0x3  }
0x9a: {  	_ =	strace s19  }
0x9b: {  	s7 =	sld [smem:$0x3FFC];
	_ =	sdelay $0x3  }
0x9c: {  	_ =	strace s7  }
0x9d: {  	s7 =	sld [smem:$0x3FFD];
	_ =	sdelay $0x3  }
0x9e: {  	_ =	strace s7  }
0x9f: {  	_ =	strace $0x8FFFFFFF  }
0xa0: {  	s20 =	sld [smem:$0x3FDB];
	_ =	sdelay $0x1  }
0xa1: {  	s8 =	simm.s32 $_scs_section_size  }
0xa2: {  	s9 =	simm.s32 $_size__tile_overlayer_lowered;
	s10 =	simm.s32 $_tile_overlayer_lowered  }
0xa3: {  	s23 =	simm.s32 $0x1BFF;
	s22 =	sshll.u32 s10, $0x1;
	s7 =	sadd.s32 s8, s20  }
0xa4: {  	s11 =	simm.s32 $0x0;
	s21 =	sshll.u32 s9, $0x1;
	s9 =	sadd.s32 s22, s7  }
0xa5: {  	[timem:s11], [sflag:s23] =	dma.local [hbm:s9], s21  }
0xa6: {  	_ =	swait.ge [sflag:s23], s21  }
0xa7: {  	s8 =	ssub.s32 $0x0, s21;
	[sflag:s23] =	ssyncset.done $0x0  }
0xa8: {  	[sflag:s23] =	ssyncadd.s32 s8;
	_ =	sdelay $0x1  }
0xa9: {  	s24 =	simm.s32 $0x1B8B  }
0xaa: {  	_ =	swait.ge [sflag:s24], $0x1  }
0xab: {  	[sflag:s24] =	ssyncset.done $0x0  }
0xac: {  	s25 =	simm.s32 $0x1B8E;
	[sflag:s24] =	ssyncadd.s32 $0xFFFFFFFF  }
0xad: {  	s26 =	simm.s32 $execute0_lowered;
	[smem:$0x3FD2] =	sst s25  }
0xae: {  	s8 =	sshll.u32 s26, $0x1;
	_ =	strace $0x80000046;
	[dreg:$0x1] =	wrdreg $0xFFFFFFFF  }
0xaf: {  	s28 =	simm.s32 $_size_execute0_lowered;
	s7 =	sadd.s32 s7, s8;
	[dreg:$0x0] =	wrdreg $0x0  }
0xb0: {  	s8 =	sshll.u32 s28, $0x1;
	[dreg:$0x2] =	wrdreg s7  }
0xb1: {  	[dreg:$0x3] =	wrdreg s8  }
0xb2: {  	[dreg:$0x4] =	wrdreg $0xC0  }
0xb3: {  	_ =	task [dreg:s11], $0x5FFFF  }
0xb4: {  	[dreg:$0x1] =	wrdreg $0xFFFFFFFF  }
0xb5: {  	[dreg:$0x0] =	wrdreg $0x60  }
0xb6: {  	[dreg:$0x2] =	wrdreg s16  }
0xb7: {  	[dreg:$0x3] =	wrdreg s4  }
0xb8: {  	[dreg:$0x4] =	wrdreg s5  }
0xb9: {  	[dreg:$0x5] =	wrdreg s17  }
0xba: {  	[dreg:$0x6] =	wrdreg s18  }
0xbb: {  	[dreg:$0x7] =	wrdreg $0x59800  }
0xbc: {  	[dreg:$0x8] =	wrdreg $0x9  }
0xbd: {  	_ =	task.clear_ibuf [dreg:s11], $0x9FFFF;
	_ =	strace $0x90000046  }
0xbe: {  	s29 =	simm.s32 $0x9;
	_ =	strace $0x80000048  }
0xbf: {  	_ =	swait.ge [sflag:s29], $0x1  }
0xc0: {  	[sflag:s29] =	ssyncadd.s32 $0xFFFFFFFF  }
0xc1: {  	_ =	strace $0x90000048  }
0xc2: {  	_ =	sfence  }
0xc3: {  	s30 =	sld [smem:$0x0];
	_ =	sdelay $0x2  }
0xc4: {  	s31 =	sshll.u32 s1, $0xD;
	s1 =	sshrl.u32 s1, $0x2  }
0xc5: {  	s3 =	sand.u32 $0x4000, s31;
	s1 =	sadd.s32 s1, s30  }
0xc6: {  	s0 =	sor.u32 s3, s0;
	s1 =	sshll.u32 s1, $0x11  }
0xc7: {  	s0 =	sor.u32 s1, s0  }
0xc8: {  	s0 =	sadd.s32 $0x8F2B, s0  }
0xc9: {  	[sflag:s0] =	ssyncadd.remote.s32 $0x1  }
0xca: {  	_ =	sfence.sel $0xFFFF  }
0xcb: {  	[dreg:$0x0] =	wrdreg $0xFFFFFFFF;
	(pc) =	sbr.abs _section_cstart, $3  }
0xcc: {  	[dreg:$0x1] =	wrdreg $0xFFFFFFFF  }
0xcd: {  	_ =	task.clear_ibuf [dreg:s11], $0x2FFFF;
	_ =	strace $0x9FFFFFFF  }
0xce: {  	(tm) =	ssettm $0x7FFFFFFF  }
0xcf: {  	_ =	shalt  }
tec
execute0_lowered:
.L_overlay_start_1:
0x0: {  	(tag) =	ssettag $0x1  }
0x1: {  	s10 =	rddreg [dreg:$0x0]  }
0x2: {  	s11 =	rddreg [dreg:$0x2]  }
0x3: {  	s2 =	rddreg [dreg:$0x3];
	s4 =	srdreg.scid  }
0x4: {  	s0 =	stileid.u32;
	s5 =	simm.s32 $0x0;
	s28 =	simm.s32 $0x5880  }
0x5: {  	s30 =	simm.s32 $0x5900;
	s12 =	sand.u32 $0x1, s4;
	s4 =	rddreg [dreg:$0x5]  }
0x6: {  	s31 =	simm.s32 $0x4080;
	s13 =	sshrl.u32 s0, $0x1;
	[smem:$0x7FF] =	sst s5  }
0x7: {  	s3 =	sshll.u32 s0, $0x4;
	s6 =	sshll.u32 s12, $0x3;
	s26 =	ssub.s32 $0x2, s12  }
0x8: {  	_ =	strace $0x80000047;
	s12 =	sshll.u32 s12, $0x7;
	s14 =	sor.u32 s13, s6  }
0x9: {  	s7 =	sshrl.u32 s26, $0x1;
	s13 =	sshll.u32 s13, $0x4;
	s15 =	smul.u32 $0x3, s14  }
0xa: {  	s11 =	sadd.s32 s11, s12;
	s16 =	smul.u32 $0x180, s14;
	s9 =	ssub.s32 s26, s7  }
0xb: {  	s7 =	sand.u32 $0x1, s0;
	s0 =	sadd.s32 s3, s4;
	s12 =	sadd.s32 s13, s11  }
0xc: {  	s13 =	sshll.u32 s14, $0x7;
	s8 =	sshll.u32 s7, $0xB;
	[dreg:$0xb] =	wrdreg s12  }
0xd: {  	[dreg:$0x9] =	wrdreg s0;
	s0 =	sadd.s32 $0x100, s0;
	p0 =	seq.s32 s7, $0x1  }
0xe: {  	s14 =	sshll.u32 s7, $0x6;
	p1 =	seq.s32 s7, $0x0;
	s17 =	sshrl.u32 s15, $0x3  }
0xf: {  	s16 =	sand.u32 $0x380, s16;
	s6 =	scvt.s32.f32 s8;
	s19 =	sadd.s32 $0x1, s15  }
0x10: {  	v0 =	vimm.f32 $1.500000000e+01;
	vm0 =	vcmask $0x300;
	s15 =	sadd.s32 $0x2, s15;
	[dreg:$0xc] =	wrdreg s0;
	s13 =	sor.u32 s14, s13  }
0x11: {  	v0 =	vsel vm0, $0x0, v0;
	vm0 =	vcmask $0x704;
	s18 =	sshll.u32 s17, $0xF;
	s20 =	sshrl.u32 s19, $0x3;
	s19 =	sshll.u32 s19, $0x7  }
0x12: {  	v0 =	vsel vm0, $0x3F800000, v0;
	vm0 =	vcmask $0xB08;
	s22 =	sshrl.u32 s15, $0x3;
	s15 =	sshll.u32 s15, $0x7;
	s18 =	sor.u32 s16, s18  }
0x13: {  	v0 =	vsel vm0, $0x40000000, v0;
	vm0 =	vcmask $0xF0C;
	s19 =	sand.u32 $0x380, s19;
	s21 =	sshll.u32 s20, $0xF;
	s15 =	sand.u32 $0x380, s15  }
0x14: {  	v0 =	vsel vm0, $0x40400000, v0;
	vm0 =	vcmask $0x1310;
	s23 =	sshll.u32 s22, $0xF;
	s22 =	sshll.u32 s22, $0xE;
	s18 =	sshrl.u32 s18, $0x3  }
0x15: {  	v0 =	vsel vm0, $0x40800000, v0;
	vm0 =	vcmask $0x1714;
	s21 =	sor.u32 s19, s21;
	s12 =	sor.u32 s15, s22;
	s22 =	simm.s32 $0x400  }
0x16: {  	v0 =	vsel vm0, $0x40A00000, v0;
	vm0 =	vcmask $0x1B18;
	s21 =	sshrl.u32 s21, $0x3;
	s1 =	sadd.s32 s10, s18;
	s25 =	sshrl.u32 s12, $0x3  }
0x17: {  	v0 =	vsel vm0, $0x40C00000, v0;
	vm0 =	vcmask $0x1F1C;
	[dreg:$0x7] =	wrdreg s1;
	s29 =	sadd.s32 s10, s21;
	s1 =	sor.u32 s15, s23  }
0x18: {  	v0 =	vsel vm0, $0x40E00000, v0;
	vm0 =	vcmask $0x2320;
	s21 =	sshll.u32 s20, $0xE;
	s26 =	sadd.s32 s2, s25;
	s20 =	sor.u32 $0x1040, s8  }
0x19: {  	v0 =	vsel vm0, $0x41000000, v0;
	vm0 =	vcmask $0x2724;
	s25 =	simm.s32 $0x2000;
	[dreg:$0x8] =	wrdreg s29;
	s18 =	sshrl.u32 s1, $0x3  }
0x1a: {  	v0 =	vsel vm0, $0x41100000, v0;
	vm0 =	vcmask $0x2B28;
	s11 =	sor.u32 s19, s21;
	[dreg:$0xf] =	wrdreg s26;
	s29 =	smax.u32 s9, $0x1  }
0x1b: {  	vm1 =	vcmask $0x3F30;
	v0 =	vsel vm0, $0x41200000, v0;
	vm0 =	vcmask $0x2F2C;
	s19 =	sor.u32 $0x2040, s8;
	s21 =	simm.s32 $0x80;
	s1 =	simm.s32 $0x0  }
.Ltmp0:
0x1c: {  	vm2 =	vcmask $0x2F20;
	v1 =	vsel vm0, $0x41300000, v0;
	vm0 =	vcmask $0x3330;
	s10 =	sadd.s32 s10, s18;
	s18 =	sshll.u32 s17, $0xE;
	(pc) =	sbr.rel .LBB2_1-.Ltmp0, $4  }
0x1d: {  	vm3 =	vcmask $0xF00;
	s11 =	sshrl.u32 s11, $0x3;
	v2 =	vsel vm0, $0x41400000, v1;
	vm0 =	vcmask $0x3734;
	[dreg:$0xa] =	wrdreg s10;
	s10 =	sor.u32 s16, s18  }
0x1e: {  	vm4 =	vmmov $0xfff;
	[dreg:$0x10] =	wrdreg s29;
	s24 =	sadd.s32 s2, s11;
	v2 =	vsel vm0, $0x41500000, v2;
	vm0 =	vcmask $0x3B38;
	s10 =	sshrl.u32 s10, $0x3  }
0x1f: {  	vm2 =	vmor vm3, vm2;
	s18 =	sor.u32 $0x40, s8;
	[dreg:$0xe] =	wrdreg s24;
	v2 =	vsel vm0, $0x41600000, v2;
	vm0 =	vcmask $0x1F10;
	s23 =	sadd.s32 s2, s10  }
0x20: {  	v0 =	vimm.f32 $1.000000000e+10;
	v1 =	vimm.f32 $-1.000000000e+00;
	s24 =	simm.s32 $0x1000;
	vm1 =	vmor vm0, vm1;
	[dreg:$0xd] =	wrdreg s23;
	s23 =	simm.s32 $0x1  }
.LBB2_22:
0x21: {  	s1 =	sadd.s32 $0x1, s1;
	s0 =	rddreg [dreg:$0x10]  }
0x22: {  	p2 =	sne.s32 s1, s0  }
.Ltmp1:
0x23: {  	_ = 	snop;
	(pc) =	sbr.rel @!p2 .LBB2_23-.Ltmp1, $1  }
0x24: {  	_ =	sdelay $0x3  }
.LBB2_1:
0x25: {  	[dreg:$0x11] =	wrdreg s1  }
0x26: {  	s0 =	rddreg [dreg:$0x7]  }
0x27: {  	[tilespmem:s5], [sflag:$0x1] =	stream.strided.gather [hbm4b:s0+s21], $0x1000, s22, s21, $0x38;
	[tilespmem:$0x59A0] =	vst v63  }
0x28: {  	_ =	swait.ge [sflag:s23], $0x1000  }
0x29: {  	[sflag:s23] =	ssyncset.done $0x0  }
0x2a: {  	s16 =	rddreg [dreg:$0x8];
	[sflag:s23] =	ssyncadd.s32 $0xFFFFF000  }
0x2b: {  	[tilespmem:s24], [sflag:$0x1] =	stream.strided.gather [hbm4b:s16+s21], $0x1000, s22, s21, $0x38;
	[tilespmem:$0x59A0] =	vst v63  }
0x2c: {  	_ =	swait.ge [sflag:s23], $0x1000  }
0x2d: {  	[sflag:s23] =	ssyncset.done $0x0  }
0x2e: {  	s17 =	rddreg [dreg:$0xa];
	[sflag:s23] =	ssyncadd.s32 $0xFFFFF000  }
0x2f: {  	[tilespmem:s25], [sflag:$0x1] =	stream.strided.gather [hbm4b:s17+s21], $0x1000, s22, s21, $0x38;
	[tilespmem:$0x59A0] =	vst v63  }
0x30: {  	_ =	swait.ge [sflag:s23], $0x1000  }
0x31: {  	[sflag:s23] =	ssyncset.done $0x0  }
0x32: {  	s29 =	simm.s32 $0x4000;
	s26 =	rddreg [dreg:$0xb];
	[sflag:s23] =	ssyncadd.s32 $0xFFFFF000  }
0x33: {  	[tilespmem:s29], [sflag:$0x1] =	stream.linear.gather [hbm4b:s26+s5], $0x80, $0x38;
	[tilespmem:$0x59A0] =	vst v63  }
0x34: {  	_ =	swait.ge [sflag:s23], $0x80  }
0x35: {  	[sflag:s23] =	ssyncset.done $0x0  }
0x36: {  	s7 =	simm.s32 $0x3040;
	[sflag:s23] =	ssyncadd.s32 $0xFFFFFF80  }
0x37: {  	v3 =	vld [tilespmem:$0x4000];
	[tilespmem:s7+$0xFFFFFFC0] =	vst v0  }
0x38: {  	[tilespmem:s7+$0x30] =	vst v0  }
0x39: {  	[tilespmem:s7+$0x20] =	vst v0  }
0x3a: {  	[tilespmem:s7+$0x10] =	vst v0  }
0x3b: {  	[tilespmem:s7+$0x0] =	vst v0  }
0x3c: {  	[tilespmem:s7+$0xFFFFFFF0] =	vst v0  }
0x3d: {  	s8 =	simm.s32 $0x0;
	[tilespmem:s7+$0xFFFFFFE0] =	vst v0  }
.LBB2_2:
0x3e: {  	s8 =	sadd.s32 $0x8, s8;
	[tilespmem:s7+$0xFFFFFFD0] =	vst v0;
	s7 =	sadd.s32 $0x80, s7  }
0x3f: {  	[tilespmem:s7+$0xFFFFFFC0] =	vst v0;
	p2 =	slt.u32 s8, $0x78  }
0x40: {  	[tilespmem:s7+$0x30] =	vst v0  }
.Ltmp2:
0x41: {  	[tilespmem:s7+$0x20] =	vst v0;
	(pc) =	sbr.rel @p2 .LBB2_2-.Ltmp2, $4  }
0x42: {  	[tilespmem:s7+$0x10] =	vst v0  }
0x43: {  	[tilespmem:s7+$0x0] =	vst v0  }
0x44: {  	[tilespmem:s7+$0xFFFFFFF0] =	vst v0  }
0x45: {  	[tilespmem:s7+$0xFFFFFFE0] =	vst v0  }
0x46: {  	[tilespmem:s7+$0xFFFFFFD0] =	vst v0  }
0x47: {  	[tilespmem:$0x5880] =	vst v1;
	s0 =	rddreg [dreg:$0x9]  }
0x48: {  	[spmem:s0] =	stream.linear.scatter [tilespmem:s28], [sflag:$0x1], $0x10, $0x38;
	[tilespmem:$0x59A0] =	vst v63  }
0x49: {  	_ =	swait.ge [sflag:s23], $0x10  }
0x4a: {  	[sflag:s23] =	ssyncset.done $0x0  }
0x4b: {  	s29 =	rddreg [dreg:$0xc];
	[sflag:s23] =	ssyncadd.s32 $0xFFFFFFF0  }
0x4c: {  	[spmem:s29] =	stream.linear.scatter [tilespmem:s28], [sflag:$0x1], $0x10, $0x38;
	[tilespmem:$0x59A0] =	vst v63  }
0x4d: {  	_ =	swait.ge [sflag:s23], $0x10  }
0x4e: {  	[sflag:s23] =	ssyncset.done $0x0  }
0x4f: {  	[sflag:s23] =	ssyncadd.s32 $0xFFFFFFF0  }
0x50: {  	s14 =	simm.s32 $0x0;
	[bflag:$0x0] =	sbarrier.arrive $0xFFFF  }
.LBB2_4:
0x51: {  	v3 =	vtrunc.f32 v3  }
0x52: {  	v3 =	vcvt.f32.s32 v3;
	_ =	sdelay $0x2  }
0x53: {  	v4 =	vmov s14;
	_ =	sdelay $0x2  }
0x54: {  	v5 =	vld.idx.msk [tilespmem:v3+s5+$0x0], $0xffff  }
0x55: {  	s0 =	simm.s32 $0x3800;
	v6 =	vld.idx.msk [tilespmem:v3+s24+$0x0], $0xffff  }
0x56: {  	v7 =	vld.idx.msk [tilespmem:v3+s25+$0x0], $0xffff;
	[tilespmem:v4+s0+$0x0] =	vst.idx.msk $0x1, v3  }
0x57: {  	v3 =	vld [tilespmem:s18+$0xFFFFFFC0]  }
0x58: {  	v8 =	vld [tilespmem:s19+$0x30]  }
0x59: {  	v4 =	vld [tilespmem:s20+$0x30]  }
0x5a: {  	v9 =	vld [tilespmem:s20+$0x20]  }
0x5b: {  	v10 =	vld [tilespmem:s18+$0x20]  }
0x5c: {  	v11 =	vld [tilespmem:s19+$0x20]  }
0x5d: {  	v12 =	vld [tilespmem:s19+$0x10]  }
0x5e: {  	s7 =	simm.s32 $0x70;
	v14 =	vld [tilespmem:s20+$0x10]  }
0x5f: {  	s8 =	simm.s32 $0x40;
	s7 =	scvt.s32.f32 s7;
	v15 =	vld [tilespmem:s18+$0x10]  }
0x60: {  	s8 =	scvt.s32.f32 s8;
	v16 =	vld [tilespmem:s19+$0x0]  }
0x61: {  	s7 =	sadd.f32 s7, s6;
	v17 =	vld [tilespmem:s18+$0x0]  }
0x62: {  	s8 =	sadd.f32 s8, s6;
	v18 =	vld [tilespmem:s20+$0x0]  }
0x63: {  	v19 =	vld [tilespmem:s20+$0xFFFFFFF0];
	v20 =	vsub.f32 v3, v5;
	v3 =	vadd.f32 s7, v2  }
0x64: {  	v21 =	vld [tilespmem:s19+$0xFFFFFFD0];
	v22 =	vsub.f32 v4, v6;
	v4 =	vadd.f32 s8, v2  }
0x65: {  	v23 =	vld [tilespmem:s19+$0xFFFFFFE0];
	v10 =	vsub.f32 v10, v5;
	v11 =	vsub.f32 v11, v7  }
0x66: {  	v24 =	vld [tilespmem:s20+$0xFFFFFFE0];
	v12 =	vsub.f32 v12, v7;
	v14 =	vsub.f32 v14, v6  }
0x67: {  	v26 =	vld [tilespmem:s19+$0xFFFFFFC0];
	v8 =	vsub.f32 v8, v7;
	v16 =	vsub.f32 v16, v7  }
0x68: {  	v27 =	vld [tilespmem:s20+$0xFFFFFFC0];
	v15 =	vsub.f32 v15, v5;
	v17 =	vsub.f32 v17, v5  }
0x69: {  	v13 =	vimm.f32 $-1.000000000e+00;
	v28 =	vld [tilespmem:s18+$0xFFFFFFE0];
	v29 =	vsub.f32 v18, v6;
	v9 =	vsub.f32 v9, v6  }
0x6a: {  	v25 =	vimm.f32 $0.0e+00;
	v30 =	vld [tilespmem:s19+$0xFFFFFFF0];
	v18 =	vsub.f32 v19, v6;
	v23 =	vsub.f32 v23, v7  }
0x6b: {  	v32 =	vld [tilespmem:s18+$0x30];
	v21 =	vsub.f32 v21, v7;
	v24 =	vsub.f32 v24, v6;
	v20 =	vmul.f32 v20, v20  }
0x6c: {  	v34 =	vld [tilespmem:s20+$0xFFFFFFD0];
	v26 =	vsub.f32 v26, v7;
	v10 =	vmul.f32 v10, v10;
	v11 =	vmul.f32 v11, v11  }
0x6d: {  	s16 =	simm.s32 $0x0;
	v27 =	vsub.f32 v27, v6;
	v12 =	vmul.f32 v12, v12;
	v15 =	vmul.f32 v15, v15  }
0x6e: {  	s9 =	simm.s32 $0x3040;
	s17 =	simm.s32 $0x10;
	v31 =	vld [tilespmem:s18+$0xFFFFFFF0];
	s7 =	scvt.s32.f32 s16;
	v28 =	vsub.f32 v28, v5;
	v14 =	vmul.f32 v14, v14;
	v23 =	vmul.f32 v23, v23  }
0x6f: {  	s10 =	simm.s32 $0x20;
	v36 =	vld [tilespmem:s9+$0xFFFFFFC0];
	s8 =	scvt.s32.f32 s17;
	v30 =	vsub.f32 v30, v7;
	v17 =	vmul.f32 v17, v17;
	v26 =	vmul.f32 v26, v26  }
0x70: {  	s10 =	scvt.s32.f32 s10;
	v19 =	vld [tilespmem:s18+$0xFFFFFFD0];
	v32 =	vsub.f32 v32, v5;
	s16 =	sadd.s32 $0x80, s18;
	v16 =	vmul.f32 v16, v16;
	s7 =	sadd.f32 s7, s6;
	v28 =	vmul.f32 v28, v28  }
0x71: {  	v34 =	vsub.f32 v34, v6;
	s17 =	sadd.s32 $0x80, s19;
	v51 =	vld [tilespmem:s16+$0xFFFFFFC0];
	s8 =	sadd.f32 s8, s6;
	v9 =	vmul.f32 v9, v9;
	v27 =	vmul.f32 v27, v27  }
0x72: {  	s26 =	sadd.f32 s10, s6;
	v54 =	vld [tilespmem:s17+$0x20];
	v32 =	vmul.f32 v32, v32;
	v20 =	vadd.f32 v26, v20;
	v37 =	vadd.f32 s7, v2  }
0x73: {  	v55 =	vld [tilespmem:s17+$0x10];
	v8 =	vmul.f32 v8, v8;
	v16 =	vadd.f32 v16, v17;
	v38 =	vadd.f32 s8, v2  }
0x74: {  	s15 =	simm.s32 $0xF0;
	v43 =	vld [tilespmem:s17+$0xFFFFFFD0];
	v21 =	vmul.f32 v21, v21;
	v26 =	vadd.f32 s26, v2;
	v23 =	vadd.f32 v23, v28  }
0x75: {  	s29 =	scvt.s32.f32 s15;
	v59 =	vld [tilespmem:s17+$0xFFFFFFF0];
	v30 =	vmul.f32 v30, v30;
	v10 =	vadd.f32 v11, v10;
	v8 =	vadd.f32 v8, v32  }
0x76: {  	v61 =	vld [tilespmem:s16+$0xFFFFFFF0];
	v24 =	vmul.f32 v24, v24;
	s26 =	sadd.s32 $0x80, s20;
	v12 =	vadd.f32 v12, v15;
	v35 =	vsub.f32 v19, v5  }
0x77: {  	v22 =	vmul.f32 v22, v22;
	s7 =	sadd.f32 s29, s6;
	v19 =	vsub.f32 v31, v5;
	v52 =	vld [tilespmem:s26+$0x30];
	v20 =	vadd.f32 v20, v27  }
0x78: {  	v29 =	vmul.f32 v29, v29;
	v15 =	vld [tilespmem:s26+$0x10];
	v23 =	vadd.f32 v23, v24;
	v53 =	vadd.f32 v10, v9  }
0x79: {  	v41 =	vld [tilespmem:s26+$0xFFFFFFF0];
	v10 =	vadd.f32 v8, v22;
	v8 =	vadd.f32 s7, v2;
	v39 =	vmul.f32 v19, v19  }
0x7a: {  	v46 =	vld [tilespmem:s26+$0xFFFFFFE0];
	v29 =	vadd.f32 v16, v29;
	v60 =	vsub.f32 v43, v7;
	v35 =	vmul.f32 v35, v35  }
0x7b: {  	v47 =	vld [tilespmem:s26+$0xFFFFFFC0];
	v63 =	vsub.f32 v59, v7;
	vm5 =	vlt.f32 v20, v36;
	v30 =	vadd.f32 v30, v39  }
0x7c: {  	v27 =	vld [tilespmem:s9+$0x30];
	v21 =	vadd.f32 v21, v35;
	v22 =	vsel vm5, v20, v36;
	v20 =	vsub.f32 v51, v5  }
0x7d: {  	s11 =	simm.s32 $0x50;
	v33 =	vmul.f32 v18, v18;
	v24 =	vld [tilespmem:s17+$0x30];
	v36 =	vsub.f32 v55, v7;
	v55 =	vsub.f32 v61, v5  }
0x7e: {  	s11 =	scvt.s32.f32 s11;
	v11 =	vmul.f32 v34, v34;
	v16 =	vld [tilespmem:s16+$0x10];
	v32 =	vsub.f32 v52, v6;
	v42 =	vsub.f32 v15, v6  }
0x7f: {  	v57 =	vld [tilespmem:s16+$0x0];
	v34 =	vmul.f32 v60, v60;
	v41 =	vsub.f32 v41, v6;
	v43 =	vsub.f32 v46, v6  }
0x80: {  	s11 =	sadd.f32 s11, s6;
	v40 =	vld [tilespmem:s9+$0xFFFFFFF0];
	vm7 =	vgt.f32 v22, v13;
	v47 =	vsub.f32 v47, v6;
	v9 =	vadd.f32 v30, v33  }
0x81: {  	v56 =	vld [tilespmem:s17+$0x0];
	v21 =	vadd.f32 v21, v11;
	v39 =	vmul.f32 v20, v20;
	v20 =	vadd.f32 v12, v14  }
0x82: {  	v28 =	vld [tilespmem:s9+$0xFFFFFFD0];
	vm8 =	vlt.f32 v10, v27;
	v33 =	vsub.f32 v54, v7;
	v12 =	vadd.f32 s11, v2  }
0x83: {  	v18 =	vld [tilespmem:s9+$0x20];
	v25 =	vsel vm7, v37, v25;
	v45 =	vsub.f32 v24, v7;
	v16 =	vsub.f32 v16, v5  }
0x84: {  	s0 =	simm.s32 $0xC0;
	v19 =	vld [tilespmem:s9+$0x0];
	v37 =	vsub.f32 v57, v5;
	v15 =	vmul.f32 v36, v36;
	v57 =	vmul.f32 v55, v55  }
0x85: {  	s8 =	scvt.s32.f32 s0;
	v31 =	vld [tilespmem:s9+$0xFFFFFFE0];
	[tilespmem:s9+$0xFFFFFFC0] =	vst v22;
	v13 =	vsel vm7, v22, v13;
	v22 =	vmul.f32 v63, v63;
	v41 =	vmul.f32 v41, v41  }
0x86: {  	v17 =	vld [tilespmem:s9+$0x10];
	v43 =	vmul.f32 v43, v43;
	vm5 =	vlt.f32 v9, v40;
	v33 =	vmul.f32 v33, v33  }
0x87: {  	s2 =	sadd.f32 s8, s6;
	v11 =	vld [tilespmem:s16+$0x20];
	vm6 =	vlt.f32 v21, v28;
	v16 =	vmul.f32 v16, v16;
	v62 =	vmul.f32 v37, v37  }
0x88: {  	s1 =	simm.s32 $0x60;
	v30 =	vld [tilespmem:s26+$0x20];
	v61 =	vadd.f32 v22, v57;
	v63 =	vmul.f32 v45, v45;
	v35 =	vsel vm5, v9, v40  }
0x89: {  	s10 =	scvt.s32.f32 s1;
	v24 =	vld [tilespmem:s17+$0xFFFFFFE0];
	v9 =	vadd.f32 s2, v2;
	vm5 =	vlt.f32 v29, v19;
	v28 =	vsel vm6, v21, v28  }
0x8a: {  	v58 =	vld [tilespmem:s17+$0xFFFFFFC0];
	v40 =	vsub.f32 v56, v7;
	vm6 =	vlt.f32 v23, v31;
	vm7 =	vgt.f32 v28, v13  }
0x8b: {  	s10 =	sadd.f32 s10, s6;
	v31 =	vsel vm6, v23, v31;
	vm6 =	vlt.f32 v53, v18;
	v50 =	vsel vm5, v29, v19  }
0x8c: {  	v41 =	vadd.f32 v61, v41;
	v14 =	vsub.f32 v11, v5;
	v11 =	vsel vm8, v10, v27  }
0x8d: {  	s3 =	simm.s32 $0x30;
	v10 =	vadd.f32 s10, v2;
	vm8 =	vlt.f32 v20, v17;
	v30 =	vsub.f32 v30, v6  }
0x8e: {  	s8 =	scvt.s32.f32 s3;
	v21 =	vld [tilespmem:s16+$0xFFFFFFE0];
	v13 =	vsel vm7, v28, v13;
	v48 =	vsel vm7, v38, v25;
	v24 =	vsub.f32 v24, v7  }
0x8f: {  	v56 =	vld [tilespmem:s16+$0x30];
	v23 =	vsel vm6, v53, v18;
	v18 =	vsub.f32 v58, v7;
	v53 =	vmul.f32 v40, v40  }
0x90: {  	s0 =	simm.s32 $0xA0;
	s8 =	sadd.f32 s8, s6;
	v29 =	vld [tilespmem:s26+$0xFFFFFFD0];
	v58 =	vmul.f32 v47, v47;
	v20 =	vsel vm8, v20, v17;
	v17 =	vmul.f32 v42, v42  }
0x91: {  	v27 =	vld [tilespmem:s26+$0x0];
	s10 =	scvt.s32.f32 s0;
	vm7 =	vgt.f32 v31, v13;
	v44 =	vmul.f32 v14, v14;
	v49 =	vmul.f32 v24, v24  }
0x92: {  	s12 =	simm.s32 $0x80;
	v25 =	vld [tilespmem:s16+$0xFFFFFFD0];
	v14 =	vadd.f32 s8, v2;
	v18 =	vmul.f32 v18, v18;
	v51 =	vmul.f32 v30, v30  }
0x93: {  	s29 =	simm.s32 $0x90;
	s7 =	scvt.s32.f32 s12;
	s1 =	sadd.f32 s10, s6;
	v30 =	vsel vm7, v31, v13;
	v37 =	vsel vm7, v26, v48;
	v21 =	vsub.f32 v21, v5  }
0x94: {  	s11 =	simm.s32 $0x30C0;
	s8 =	scvt.s32.f32 s29;
	vm5 =	vgt.f32 v35, v30;
	v60 =	vsub.f32 v56, v5;
	v39 =	vadd.f32 v18, v39  }
0x95: {  	s7 =	sadd.f32 s7, s6;
	v22 =	vld [tilespmem:s11+$0x0];
	[tilespmem:s9+$0xFFFFFFF0] =	vst v35;
	v13 =	vadd.f32 s1, v2;
	v59 =	vsel vm5, v35, v30;
	v29 =	vsub.f32 v29, v6  }
0x96: {  	v19 =	vld [tilespmem:s11+$0x20];
	[tilespmem:s9+$0xFFFFFFD0] =	vst v28;
	s8 =	sadd.f32 s8, s6;
	v30 =	vmul.f32 v32, v32;
	v33 =	vadd.f32 v33, v44;
	v27 =	vsub.f32 v27, v6  }
0x97: {  	[tilespmem:s9+$0xFFFFFFE0] =	vst v31;
	v35 =	vld [tilespmem:s11+$0xFFFFFFC0];
	v25 =	vsub.f32 v25, v5;
	v54 =	vmul.f32 v21, v21;
	v21 =	vadd.f32 s7, v2  }
0x98: {  	v28 =	vld [tilespmem:s11+$0x10];
	[tilespmem:s9+$0x0] =	vst v50;
	vm6 =	vgt.f32 v50, v59;
	v18 =	vadd.f32 s8, v2;
	v36 =	vadd.f32 v39, v58  }
0x99: {  	s12 =	simm.s32 $0x8;
	s3 =	simm.s32 $0xB0;
	[tilespmem:s9+$0x30] =	vst v11;
	v32 =	vld [tilespmem:s11+$0xFFFFFFF0];
	v39 =	vmul.f32 v29, v29;
	v42 =	vsel vm6, v50, v59;
	v24 =	vmul.f32 v27, v27  }
0x9a: {  	s17 =	sadd.s32 $0x80, s17;
	s2 =	simm.s32 $0xE0;
	[tilespmem:s9+$0x20] =	vst v23;
	s29 =	simm.s32 $0xD0;
	v31 =	vld [tilespmem:s11+$0xFFFFFFD0];
	v27 =	vadd.f32 v53, v62;
	v40 =	vadd.f32 v49, v54;
	v62 =	vmul.f32 v60, v60  }
0x9b: {  	[tilespmem:s9+$0x10] =	vst v20;
	s10 =	scvt.s32.f32 s3;
	s9 =	sadd.s32 $0x80, s26;
	s26 =	sadd.s32 $0x80, s16;
	v26 =	vadd.f32 v33, v51;
	v33 =	vld [tilespmem:s11+$0x30];
	v38 =	vmul.f32 v25, v25;
	vm7 =	vgt.f32 v20, v42  }
0x9c: {  	s16 =	simm.s32 $0x30C0;
	s7 =	scvt.s32.f32 s2;
	s8 =	scvt.s32.f32 s29;
	v25 =	vld [tilespmem:s11+$0xFFFFFFE0];
	v29 =	vadd.f32 v40, v43;
	vm10 =	vlt.f32 v36, v35;
	v40 =	vadd.f32 v63, v62  }
.LBB2_5:
0x9d: {  	v43 =	vld [tilespmem:s26+$0xFFFFFFC0];
	s12 =	sadd.s32 $0x8, s12;
	v35 =	vsel vm10, v36, v35;
	v34 =	vadd.f32 v34, v38;
	s15 =	sadd.s32 $0x80, s15;
	s11 =	sadd.s32 $0x80, s11;
	v20 =	vsel vm7, v20, v42  }
0x9e: {  	v14 =	vsel vm5, v14, v37;
	s0 =	sadd.s32 $0xFFFFFFF0, s15;
	v36 =	vld [tilespmem:s17+$0x30];
	s3 =	scvt.s32.f32 s15;
	p2 =	slt.u32 s12, $0x78;
	[tilespmem:s16+$0xFFFFFFC0] =	vst v35;
	vm8 =	vlt.f32 v41, v32;
	v38 =	vadd.f32 v40, v30  }
0x9f: {  	s1 =	sadd.s32 $0xFFFFFFC0, s15;
	s29 =	sadd.s32 $0xFFFFFFE0, s15;
	v14 =	vsel vm6, v4, v14;
	v4 =	vmovc v9;
	s0 =	scvt.s32.f32 s0;
	v37 =	vld [tilespmem:s9+$0x30];
	v34 =	vadd.f32 v34, v39;
	v30 =	vsel vm8, v41, v32  }
0xa0: {  	s2 =	sadd.s32 $0xFFFFFFD0, s15;
	vm5 =	vgt.f32 v23, v20;
	s29 =	scvt.s32.f32 s29;
	v9 =	vsel vm7, v12, v14;
	v39 =	vld [tilespmem:s9+$0x20];
	s3 =	sadd.f32 s3, s6;
	[tilespmem:s16+$0xFFFFFFF0] =	vst v30;
	vm8 =	vlt.f32 v38, v33  }
0xa1: {  	s1 =	scvt.s32.f32 s1;
	s2 =	scvt.s32.f32 s2;
	v14 =	vsel vm5, v23, v20;
	v9 =	vsel vm5, v10, v9;
	v12 =	vld [tilespmem:s26+$0x20];
	vm6 =	vlt.f32 v34, v31  }
0xa2: {  	vm5 =	vgt.f32 v11, v14;
	v10 =	vsub.f32 v43, v5;
	v20 =	vld [tilespmem:s17+$0x20];
	v23 =	vadd.f32 s3, v2  }
0xa3: {  	v15 =	vadd.f32 v15, v16;
	s2 =	sadd.f32 s2, s6;
	v41 =	vsel vm5, v11, v14;
	v11 =	vsel vm5, v3, v9;
	v3 =	vmovc v8;
	v40 =	vld [tilespmem:s17+$0x10]  }
0xa4: {  	v27 =	vadd.f32 v27, v24;
	v42 =	vmul.f32 v10, v10;
	v14 =	vld [tilespmem:s9+$0x10];
	v32 =	vsub.f32 v37, v6;
	v8 =	vmovc v23  }
0xa5: {  	v17 =	vadd.f32 v15, v17;
	vm7 =	vgt.f32 v35, v41;
	v9 =	vadd.f32 s2, v2;
	v16 =	vld [tilespmem:s26+$0x10]  }
0xa6: {  	vm5 =	vlt.f32 v27, v22;
	v21 =	vsel vm7, v21, v11;
	s2 =	sadd.f32 s7, s6;
	v11 =	vsel vm8, v38, v33;
	s7 =	smov.u32 s0;
	v15 =	vld [tilespmem:s17+$0x0]  }
0xa7: {  	vm8 =	vlt.f32 v17, v28;
	s0 =	sadd.f32 s8, s6;
	s8 =	smov.u32 s29;
	v24 =	vsub.f32 v12, v5;
	v23 =	vld [tilespmem:s26+$0x0];
	v20 =	vsub.f32 v20, v7;
	[tilespmem:s16+$0x30] =	vst v11  }
0xa8: {  	s3 =	sadd.f32 s10, s6;
	s10 =	smov.u32 s1;
	v10 =	vadd.f32 s2, v2;
	v33 =	vld [tilespmem:s9+$0x0];
	v37 =	vsub.f32 v40, v7  }
0xa9: {  	v12 =	vadd.f32 s0, v2;
	v38 =	vld [tilespmem:s9+$0xFFFFFFF0];
	v40 =	vsub.f32 v14, v6  }
0xaa: {  	v45 =	vsub.f32 v36, v7;
	v44 =	vmul.f32 v24, v24;
	v14 =	vadd.f32 s3, v2;
	v43 =	vld [tilespmem:s17+$0xFFFFFFD0]  }
0xab: {  	v46 =	vmul.f32 v20, v20;
	v16 =	vsub.f32 v16, v5;
	v24 =	vld [tilespmem:s17+$0xFFFFFFE0];
	v36 =	vsub.f32 v15, v7  }
0xac: {  	v20 =	vsel vm8, v17, v28;
	v15 =	vmul.f32 v37, v37;
	v47 =	vld [tilespmem:s9+$0xFFFFFFE0];
	v48 =	vsub.f32 v23, v5  }
0xad: {  	v37 =	vsub.f32 v39, v6;
	v16 =	vmul.f32 v16, v16;
	v28 =	vld [tilespmem:s17+$0xFFFFFFC0];
	v33 =	vsub.f32 v33, v6;
	[tilespmem:s16+$0x10] =	vst v20  }
0xae: {  	v31 =	vsel vm6, v34, v31;
	vm6 =	vlt.f32 v29, v25;
	v23 =	vsel vm7, v35, v41;
	v39 =	vld [tilespmem:s9+$0xFFFFFFC0]  }
0xaf: {  	v17 =	vmul.f32 v40, v40;
	vm7 =	vgt.f32 v31, v23;
	v35 =	vsub.f32 v38, v6;
	v34 =	vld [tilespmem:s26+$0xFFFFFFE0];
	[tilespmem:s16+$0xFFFFFFD0] =	vst v31  }
0xb0: {  	v25 =	vsel vm6, v29, v25;
	v40 =	vsel vm7, v18, v21;
	v31 =	vsel vm7, v31, v23;
	v38 =	vld [tilespmem:s17+$0xFFFFFFF0]  }
0xb1: {  	vm6 =	vlt.f32 v26, v19;
	v21 =	vsub.f32 v24, v7;
	vm7 =	vgt.f32 v25, v31;
	v18 =	vld [tilespmem:s26+$0xFFFFFFD0];
	[tilespmem:s16+$0xFFFFFFE0] =	vst v25  }
0xb2: {  	v29 =	vsub.f32 v43, v7;
	v23 =	vsel vm6, v26, v19;
	v41 =	vsub.f32 v47, v6;
	v43 =	vld [tilespmem:s26+$0xFFFFFFF0]  }
0xb3: {  	s0 =	sadd.s32 $0xFFFFFF90, s15;
	v24 =	vsub.f32 v28, v7;
	v26 =	vmul.f32 v21, v21;
	v19 =	vsub.f32 v39, v6;
	[tilespmem:s16+$0x20] =	vst v23  }
0xb4: {  	s1 =	sadd.s32 $0xFFFFFFA0, s15;
	s0 =	scvt.s32.f32 s0;
	v47 =	vmul.f32 v35, v35;
	v28 =	vmul.f32 v48, v48;
	v21 =	vsub.f32 v34, v5  }
0xb5: {  	s1 =	scvt.s32.f32 s1;
	s2 =	sadd.s32 $0xFFFFFFB0, s15;
	v36 =	vmul.f32 v36, v36;
	v34 =	vmul.f32 v24, v24;
	v35 =	vsub.f32 v38, v7  }
0xb6: {  	s2 =	scvt.s32.f32 s2;
	s0 =	sadd.f32 s0, s6;
	v24 =	vmul.f32 v33, v33;
	v38 =	vsub.f32 v18, v5;
	v39 =	vmul.f32 v21, v21  }
0xb7: {  	s1 =	sadd.f32 s1, s6;
	v33 =	vadd.f32 v34, v42;
	v34 =	vsub.f32 v43, v5;
	v42 =	vld [tilespmem:s26+$0x30];
	v43 =	vsel vm5, v27, v22  }
0xb8: {  	v48 =	vmul.f32 v37, v37;
	v21 =	vadd.f32 s0, v2;
	s0 =	sadd.f32 s2, s6;
	v27 =	vadd.f32 v36, v28;
	v22 =	vld [tilespmem:s9+$0xFFFFFFD0];
	[tilespmem:s16+$0x0] =	vst v43;
	s16 =	smov.u32 s11  }
0xb9: {  	v25 =	vsel vm7, v25, v31;
	v18 =	vadd.f32 s1, v2;
	v37 =	vmul.f32 v34, v34  }
0xba: {  	vm5 =	vgt.f32 v30, v25;
	v31 =	vadd.f32 s0, v2;
	v34 =	vmul.f32 v29, v29  }
0xbb: {  	v28 =	vmul.f32 v19, v19;
	v49 =	vsel vm5, v30, v25;
	v29 =	vmul.f32 v35, v35;
	v19 =	vld [tilespmem:s11+$0x20]  }
0xbc: {  	v38 =	vmul.f32 v38, v38;
	vm6 =	vgt.f32 v43, v49;
	v35 =	vld [tilespmem:s11+$0xFFFFFFC0];
	v42 =	vsub.f32 v42, v5  }
0xbd: {  	v30 =	vmul.f32 v32, v32;
	v36 =	vadd.f32 v33, v28;
	v22 =	vsub.f32 v22, v6;
	v25 =	vld [tilespmem:s11+$0xFFFFFFE0]  }
.Ltmp3:
0xbe: {  	v26 =	vadd.f32 v26, v39;
	v33 =	vmul.f32 v41, v41;
	v28 =	vld [tilespmem:s11+$0x10];
	v50 =	vmul.f32 v42, v42;
	(pc) =	sbr.rel @p2 .LBB2_5-.Ltmp3, $4  }
0xbf: {  	v41 =	vadd.f32 v29, v37;
	v42 =	vadd.f32 v46, v44;
	v39 =	vmul.f32 v22, v22;
	v32 =	vld [tilespmem:s11+$0xFFFFFFF0]  }
0xc0: {  	v29 =	vadd.f32 v26, v33;
	v37 =	vsel vm7, v13, v40;
	v13 =	vmovc v31;
	v44 =	vmul.f32 v45, v45;
	v22 =	vld [tilespmem:s11+$0x0]  }
0xc1: {  	v26 =	vadd.f32 v42, v48;
	v42 =	vsel vm6, v43, v49;
	vm10 =	vlt.f32 v36, v35;
	v33 =	vld [tilespmem:s11+$0x30]  }
0xc2: {  	s17 =	sadd.s32 $0x80, s17;
	s26 =	sadd.s32 $0x80, s26;
	s9 =	sadd.s32 $0x80, s9;
	v41 =	vadd.f32 v41, v47;
	v40 =	vadd.f32 v44, v50;
	vm7 =	vgt.f32 v20, v42;
	v31 =	vld [tilespmem:s11+$0xFFFFFFD0]  }
0xc3: {  	v5 =	vsel vm7, v20, v42  }
0xc4: {  	v6 =	vadd.f32 v34, v38;
	vm8 =	vgt.f32 v23, v5  }
0xc5: {  	v5 =	vsel vm8, v23, v5  }
0xc6: {  	v6 =	vadd.f32 v6, v39;
	vm9 =	vgt.f32 v11, v5  }
0xc7: {  	v7 =	vsel vm10, v36, v35;
	v5 =	vsel vm9, v11, v5  }
0xc8: {  	vm11 =	vlt.f32 v6, v31;
	vm10 =	vgt.f32 v7, v5  }
0xc9: {  	v6 =	vsel vm11, v6, v31;
	v5 =	vsel vm10, v7, v5  }
0xca: {  	vm12 =	vlt.f32 v29, v25;
	vm11 =	vgt.f32 v6, v5  }
0xcb: {  	v15 =	vadd.f32 v15, v16;
	v55 =	vsel vm12, v29, v25;
	v5 =	vsel vm11, v6, v5  }
0xcc: {  	v56 =	vadd.f32 v27, v24;
	vm13 =	vlt.f32 v41, v32;
	vm12 =	vgt.f32 v55, v5  }
0xcd: {  	v57 =	vsel vm13, v41, v32;
	v5 =	vsel vm12, v55, v5  }
0xce: {  	v15 =	vadd.f32 v15, v17;
	vm13 =	vlt.f32 v56, v22;
	vm14 =	vgt.f32 v57, v5  }
0xcf: {  	v16 =	vsel vm13, v56, v22;
	v5 =	vsel vm14, v57, v5  }
0xd0: {  	vm13 =	vlt.f32 v15, v28;
	vm15 =	vgt.f32 v16, v5  }
0xd1: {  	v15 =	vsel vm13, v15, v28;
	v5 =	vsel vm15, v16, v5  }
0xd2: {  	v58 =	vadd.f32 v40, v30;
	vm13 =	vlt.f32 v26, v19;
	vm0 =	vgt.f32 v15, v5  }
0xd3: {  	v19 =	vsel vm13, v26, v19;
	v5 =	vsel vm0, v15, v5  }
0xd4: {  	vm13 =	vlt.f32 v58, v33;
	vm3 =	vgt.f32 v19, v5  }
0xd5: {  	v14 =	vsel vm5, v14, v37;
	v17 =	vsel vm13, v58, v33;
	v5 =	vsel vm3, v19, v5  }
0xd6: {  	v4 =	vsel vm6, v4, v14;
	vm5 =	vgt.f32 v17, v5  }
0xd7: {  	v4 =	vsel vm7, v12, v4;
	v5 =	vsel vm5, v17, v5  }
0xd8: {  	v4 =	vsel vm8, v10, v4;
	(xrf0) =	vmax.scan.msk.f32 $0xffff, v5  }
0xd9: {  	s0 =	sadd.f32 s10, s6;
	v3 =	vsel vm9, v3, v4  }
0xda: {  	v3 =	vsel vm10, v21, v3  }
0xdb: {  	s1 =	sadd.f32 s8, s6;
	v59 =	vadd.f32 s0, v2;
	v3 =	vsel vm11, v18, v3  }
0xdc: {  	s15 =	sadd.f32 s7, s6;
	v3 =	vsel vm12, v13, v3  }
0xdd: {  	v60 =	vadd.f32 s1, v2;
	v3 =	vsel vm14, v59, v3  }
0xde: {  	v61 =	vadd.f32 s15, v2;
	v3 =	vsel vm15, v9, v3;
	v62, _, _ =	vpop (xrf0)  }
0xdf: {  	v3 =	vsel vm0, v60, v3;
	v63 =	vbroadcast v62, $0xF  }
0xe0: {  	v3 =	vsel vm3, v61, v3  }
0xe1: {  	v3 =	vsel vm5, v8, v3;
	vm0 =	veq.f32 v5, v63  }
0xe2: {  	v3 =	vnsel vm0, $0x4E6E6B28, v3  }
0xe3: {  	(xrf0) =	vmin.scan.msk.f32 $0xffff, v3;
	_ =	sdelay $0x4  }
0xe4: {  	(v2sf) =	vpush v62, $0xF  }
0xe5: {  	v3, _, _ =	vpop (xrf0)  }
0xe6: {  	(v2sf) =	vpush v3, $0xF;
	_ =	sdelay $0x4  }
0xe7: {  	[tilespmem:s16+$0xFFFFFFC0] =	vst v7  }
0xe8: {  	[tilespmem:s16+$0xFFFFFFE0] =	vst v55  }
0xe9: {  	[tilespmem:s16+$0xFFFFFFF0] =	vst v57  }
0xea: {  	[tilespmem:s16+$0x0] =	vst v16  }
0xeb: {  	s7 =	sadd.s32 $0x1, s14;
	s17 =	sshll.u32 s14, $0x4;
	[tilespmem:s16+$0x10] =	vst v15;
	v3 =	vbroadcast v3, $0xF  }
0xec: {  	s26 =	stileid.u32;
	s10 =	scvt.s32.f32 s7;
	s0 =	sand.u32 $0x10, s17;
	[tilespmem:s16+$0xFFFFFFD0] =	vst v6;
	vm0 =	vcmask $0x1F10  }
0xed: {  	s0 =	sor.u32 s26, s0;
	[tilespmem:s16+$0x20] =	vst v19;
	v3 =	vsel vm0, v63, v3  }
0xee: {  	s0 =	sshll.u32 s0, $0x4;
	[tilespmem:s16+$0x30] =	vst v17;
	v3 =	vnsel vm1, s10, v3  }
0xef: {  	s29 =	sadd.s32 s0, s4;
	s9 =	spop (v2sf);
	[tilespmem:$0x5880] =	vst v3  }
0xf0: {  	[spmem:s29] =	stream.linear.scatter [tilespmem:s28], [sflag:$0x1], $0x10, $0x38;
	[tilespmem:$0x59A0] =	vst v63  }
0xf1: {  	s8 =	spop (v2sf)  }
0xf2: {  	_ =	swait.ge [sflag:s23], $0x10  }
0xf3: {  	s0 =	sxor.u32 $0x10, s0;
	[sflag:s23] =	ssyncset.done $0x0  }
0xf4: {  	s11 =	sadd.s32 s0, s4;
	[sflag:s23] =	ssyncadd.s32 $0xFFFFFFF0  }
.LBB2_7:
0xf5: {  	[tilespmem:s30], [sflag:$0x1] =	stream.linear.gather [spmem:s11], $0x10, $0x38;
	[tilespmem:$0x59A0] =	vst v63  }
0xf6: {  	_ =	swait.ge [sflag:s23], $0x10  }
0xf7: {  	[sflag:s23] =	ssyncset.done $0x0  }
0xf8: {  	[sflag:s23] =	ssyncadd.s32 $0xFFFFFFF0  }
0xf9: {  	v3 =	vld [tilespmem:$0x5900];
	_ =	sdelay $0x4  }
0xfa: {  	v4 =	vnsel vm2, $0x7149F2CA, v3  }
0xfb: {  	(xrf0) =	vmin.scan.msk.f32 $0xffff, v4;
	_ =	sdelay $0x5  }
0xfc: {  	v4, _, _ =	vpop (xrf0)  }
0xfd: {  	(v2sf) =	vpush v4, $0xF;
	_ =	sdelay $0xe  }
0xfe: {  	s0 =	spop (v2sf)  }
0xff: {  	p2 =	slt.f32 s0, s10  }
.Ltmp4:
0x100: {  	_ = 	snop;
	(pc) =	sbr.rel @p2 .LBB2_7-.Ltmp4, $1  }
0x101: {  	_ =	sdelay $0x3  }
0x102: {  	vm0 =	vcmask $0xF20  }
0x103: {  	v4 =	vsel vm0, $0xBF800000, v3  }
0x104: {  	v3 =	vsel vm4, $0xBF800000, v3;
	(xrf0) =	vmax.scan.msk.f32 $0xffff, v4  }
0x105: {  	(xrf0) =	vmax.scan.msk.f32 $0xffff, v3;
	_ =	sdelay $0x4  }
0x106: {  	v3, _, _ =	vpop (xrf0)  }
0x107: {  	(v2sf) =	vpush v3, $0xF;
	v3, _, _ =	vpop (xrf0)  }
0x108: {  	(v2sf) =	vpush v3, $0xF;
	_ =	sdelay $0xd  }
0x109: {  	s0 =	spop (v2sf)  }
0x10a: {  	s2 =	smov.u32 s8;
	s1 =	spop (v2sf);
	p2 =	seq.f32 s0, s9  }
0x10b: {  	s2 =	smov.u32 @p0 s1  }
0x10c: {  	s8 =	smov.u32 @p2 s2;
	p2 =	sne.s32 s7, $0x800  }
.Ltmp5:
0x10d: {  	_ = 	snop;
	(pc) =	sbr.rel @p2 .LBB2_4-.Ltmp5, $3  }
0x10e: {  	p3 =	sgt.f32 s0, s9;
	_ =	sdelay $0x1  }
0x10f: {  	s8 =	smov.u32 @p3 s1  }
0x110: {  	s14 =	smov.u32 s7;
	v3 =	vmov s8  }
0x111: {  	s1 =	rddreg [dreg:$0x1]  }
0x112: {  	s7 =	simm.s32 $0x0;
	s2 =	rddreg [dreg:$0x4];
	s3 =	simm.s32 $0x5080  }
.LBB2_10:
0x113: {  	s0 =	sadd.s32 s13, s7  }
0x114: {  	s17 =	sshll.u32 s7, $0x7;
	s8 =	sshrl.u32 s0, $0x3  }
0x115: {  	s9 =	sand.u32 $0x380, s17;
	s26 =	sshll.u32 s8, $0xF  }
0x116: {  	s0 =	sor.u32 s9, s26  }
0x117: {  	s0 =	sshrl.u32 s0, $0x3  }
0x118: {  	s0 =	sadd.s32 s1, s0  }
0x119: {  	[tilespmem:s31], [sflag:$0x1] =	stream.strided.gather [hbm4b:s0+s21], $0x1000, s22, s21, $0x38;
	[tilespmem:$0x59A0] =	vst v63  }
0x11a: {  	_ =	swait.ge [sflag:s23], $0x1000  }
0x11b: {  	[sflag:s23] =	ssyncset.done $0x0  }
0x11c: {  	s29 =	simm.s32 $0x3840;
	[sflag:s23] =	ssyncadd.s32 $0xFFFFF000  }
0x11d: {  	v3 =	vld [tilespmem:s29+$0x30]  }
0x11e: {  	v4 =	vld [tilespmem:s29+$0xFFFFFFD0]  }
0x11f: {  	v5 =	vld [tilespmem:s29+$0xFFFFFFE0]  }
0x120: {  	v6 =	vld [tilespmem:s29+$0xFFFFFFF0]  }
0x121: {  	v9 =	vld [tilespmem:s29+$0x0]  }
0x122: {  	v10 =	vld [tilespmem:s29+$0x10]  }
0x123: {  	v11 =	vld [tilespmem:s29+$0x20]  }
0x124: {  	v12 =	vld [tilespmem:s29+$0xFFFFFFC0]  }
0x125: {  	v13 =	vld.idx.msk [tilespmem:v3+s31+$0x0], $0xffff  }
0x126: {  	v14 =	vld.idx.msk [tilespmem:v4+s31+$0x0], $0xffff  }
0x127: {  	v8 =	vld.idx.msk [tilespmem:v5+s31+$0x0], $0xffff  }
0x128: {  	v7 =	vld.idx.msk [tilespmem:v6+s31+$0x0], $0xffff  }
0x129: {  	v6 =	vld.idx.msk [tilespmem:v9+s31+$0x0], $0xffff  }
0x12a: {  	s10 =	simm.s32 $0x50C0;
	v4 =	vld.idx.msk [tilespmem:v10+s31+$0x0], $0xffff  }
0x12b: {  	v3 =	vld.idx.msk [tilespmem:v11+s31+$0x0], $0xffff;
	[tilespmem:s10+$0x30] =	vst v13  }
0x12c: {  	s11 =	simm.s32 $0x0;
	s12 =	simm.s32 $0x38C0;
	v5 =	vld.idx.msk [tilespmem:v12+s31+$0x0], $0xffff;
	[tilespmem:s10+$0xFFFFFFD0] =	vst v14  }
.LBB2_11:
0x12d: {  	v9 =	vld [tilespmem:s12+$0x30];
	s11 =	sadd.s32 $0x8, s11;
	[tilespmem:s10+$0xFFFFFFE0] =	vst v8  }
0x12e: {  	v8 =	vld [tilespmem:s12+$0xFFFFFFD0];
	p2 =	slt.u32 s11, $0x78;
	[tilespmem:s10+$0xFFFFFFF0] =	vst v7  }
0x12f: {  	v7 =	vld [tilespmem:s12+$0xFFFFFFE0];
	[tilespmem:s10+$0x0] =	vst v6  }
0x130: {  	v6 =	vld [tilespmem:s12+$0xFFFFFFF0];
	[tilespmem:s10+$0x10] =	vst v4  }
0x131: {  	v4 =	vld [tilespmem:s12+$0x0];
	[tilespmem:s10+$0x20] =	vst v3  }
0x132: {  	v3 =	vld [tilespmem:s12+$0x10];
	[tilespmem:s10+$0xFFFFFFC0] =	vst v5  }
0x133: {  	v5 =	vld [tilespmem:s12+$0x20]  }
0x134: {  	v10 =	vld [tilespmem:s12+$0xFFFFFFC0]  }
0x135: {  	v9 =	vld.idx.msk [tilespmem:v9+s31+$0x0], $0xffff  }
0x136: {  	v11 =	vld.idx.msk [tilespmem:v8+s31+$0x0], $0xffff  }
0x137: {  	v8 =	vld.idx.msk [tilespmem:v7+s31+$0x0], $0xffff  }
.Ltmp6:
0x138: {  	v7 =	vld.idx.msk [tilespmem:v6+s31+$0x0], $0xffff;
	(pc) =	sbr.rel @p2 .LBB2_11-.Ltmp6, $4  }
0x139: {  	v6 =	vld.idx.msk [tilespmem:v4+s31+$0x0], $0xffff  }
0x13a: {  	s10 =	sadd.s32 $0x80, s10;
	v4 =	vld.idx.msk [tilespmem:v3+s31+$0x0], $0xffff  }
0x13b: {  	v3 =	vld.idx.msk [tilespmem:v5+s31+$0x0], $0xffff;
	[tilespmem:s10+$0x30] =	vst v9  }
0x13c: {  	s12 =	sadd.s32 $0x80, s12;
	v5 =	vld.idx.msk [tilespmem:v10+s31+$0x0], $0xffff;
	[tilespmem:s10+$0xFFFFFFD0] =	vst v11  }
0x13d: {  	[tilespmem:s10+$0xFFFFFFE0] =	vst v8  }
0x13e: {  	[tilespmem:s10+$0xFFFFFFF0] =	vst v7  }
0x13f: {  	s0 =	sshll.u32 s8, $0xE;
	[tilespmem:s10+$0x0] =	vst v6  }
0x140: {  	s7 =	sadd.s32 $0x1, s7;
	s0 =	sor.u32 s9, s0;
	[tilespmem:s10+$0x10] =	vst v4  }
0x141: {  	p2 =	sne.s32 s7, $0x40;
	s0 =	sshrl.u32 s0, $0x3;
	[tilespmem:s10+$0x20] =	vst v3  }
.Ltmp7:
0x142: {  	s0 =	sadd.s32 s2, s0;
	[tilespmem:s10+$0xFFFFFFC0] =	vst v5;
	(pc) =	sbr.rel @p2 .LBB2_10-.Ltmp7, $4  }
0x143: {  	[hbm4b:s0+s21] =	stream.strided.scatter [tilespmem:s3], [sflag:$0x1], $0x800, s22, s21, $0x38;
	[tilespmem:$0x59A0] =	vst v63  }
0x144: {  	_ =	swait.ge [sflag:s23], $0x800  }
0x145: {  	[sflag:s23] =	ssyncset.done $0x0  }
0x146: {  	[sflag:s23] =	ssyncadd.s32 $0xFFFFF800  }
.Ltmp8:
0x147: {  	(pc) =	sbr.rel @p0 .LBB2_19-.Ltmp8, $2  }
0x148: {  	_ =	sdelay $0x2  }
0x149: {  	s1 =	rddreg [dreg:$0x11]  }
0x14a: {  	s0 =	simm.s32 $0x3840  }
0x14b: {  	v3 =	vld [tilespmem:s0+$0x30]  }
0x14c: {  	v4 =	vld [tilespmem:s0+$0xFFFFFFD0]  }
0x14d: {  	v5 =	vld [tilespmem:s0+$0xFFFFFFE0]  }
0x14e: {  	v6 =	vld [tilespmem:s0+$0xFFFFFFF0]  }
0x14f: {  	v7 =	vld [tilespmem:s0+$0x0]  }
0x150: {  	v9 =	vld [tilespmem:s0+$0x10]  }
0x151: {  	v10 =	vld [tilespmem:s0+$0x20]  }
0x152: {  	v11 =	vld [tilespmem:s0+$0xFFFFFFC0]  }
0x153: {  	v12 =	vld.idx.msk [tilespmem:v3+s5+$0x0], $0xffff  }
0x154: {  	v13 =	vld.idx.msk [tilespmem:v4+s5+$0x0], $0xffff  }
0x155: {  	v8 =	vld.idx.msk [tilespmem:v5+s5+$0x0], $0xffff  }
0x156: {  	v6 =	vld.idx.msk [tilespmem:v6+s5+$0x0], $0xffff  }
0x157: {  	v3 =	vld.idx.msk [tilespmem:v7+s5+$0x0], $0xffff  }
0x158: {  	s7 =	simm.s32 $0x50C0;
	v4 =	vld.idx.msk [tilespmem:v9+s5+$0x0], $0xffff  }
0x159: {  	v5 =	vld.idx.msk [tilespmem:v10+s5+$0x0], $0xffff;
	[tilespmem:s7+$0x30] =	vst v12  }
0x15a: {  	s8 =	simm.s32 $0x0;
	s9 =	simm.s32 $0x38C0;
	v7 =	vld.idx.msk [tilespmem:v11+s5+$0x0], $0xffff;
	[tilespmem:s7+$0xFFFFFFD0] =	vst v13  }
.LBB2_15:
0x15b: {  	v9 =	vld [tilespmem:s9+$0x30];
	s8 =	sadd.s32 $0x8, s8;
	[tilespmem:s7+$0xFFFFFFE0] =	vst v8  }
0x15c: {  	v8 =	vld [tilespmem:s9+$0xFFFFFFD0];
	p2 =	slt.u32 s8, $0x78;
	[tilespmem:s7+$0xFFFFFFF0] =	vst v6  }
0x15d: {  	v6 =	vld [tilespmem:s9+$0xFFFFFFE0];
	[tilespmem:s7+$0x0] =	vst v3  }
0x15e: {  	v3 =	vld [tilespmem:s9+$0xFFFFFFF0];
	[tilespmem:s7+$0x10] =	vst v4  }
0x15f: {  	v4 =	vld [tilespmem:s9+$0x0];
	[tilespmem:s7+$0x20] =	vst v5  }
0x160: {  	v5 =	vld [tilespmem:s9+$0x10];
	[tilespmem:s7+$0xFFFFFFC0] =	vst v7  }
0x161: {  	v7 =	vld [tilespmem:s9+$0x20]  }
0x162: {  	v10 =	vld [tilespmem:s9+$0xFFFFFFC0]  }
0x163: {  	v9 =	vld.idx.msk [tilespmem:v9+s5+$0x0], $0xffff  }
0x164: {  	v11 =	vld.idx.msk [tilespmem:v8+s5+$0x0], $0xffff  }
0x165: {  	v8 =	vld.idx.msk [tilespmem:v6+s5+$0x0], $0xffff  }
.Ltmp9:
0x166: {  	v6 =	vld.idx.msk [tilespmem:v3+s5+$0x0], $0xffff;
	(pc) =	sbr.rel @p2 .LBB2_15-.Ltmp9, $4  }
0x167: {  	v3 =	vld.idx.msk [tilespmem:v4+s5+$0x0], $0xffff  }
0x168: {  	s7 =	sadd.s32 $0x80, s7;
	v4 =	vld.idx.msk [tilespmem:v5+s5+$0x0], $0xffff  }
0x169: {  	v5 =	vld.idx.msk [tilespmem:v7+s5+$0x0], $0xffff;
	[tilespmem:s7+$0x30] =	vst v9  }
0x16a: {  	s9 =	sadd.s32 $0x80, s9;
	v7 =	vld.idx.msk [tilespmem:v10+s5+$0x0], $0xffff;
	[tilespmem:s7+$0xFFFFFFD0] =	vst v11  }
0x16b: {  	[tilespmem:s7+$0xFFFFFFE0] =	vst v8  }
0x16c: {  	[tilespmem:s7+$0xFFFFFFF0] =	vst v6  }
0x16d: {  	[tilespmem:s7+$0x0] =	vst v3  }
0x16e: {  	[tilespmem:s7+$0x10] =	vst v4  }
0x16f: {  	[tilespmem:s7+$0x20] =	vst v5  }
0x170: {  	[tilespmem:s7+$0xFFFFFFC0] =	vst v7  }
0x171: {  	s0 =	rddreg [dreg:$0xd]  }
0x172: {  	[hbm4b:s0+s21] =	stream.strided.scatter [tilespmem:s3], [sflag:$0x1], $0x800, s22, s21, $0x38;
	[tilespmem:$0x59A0] =	vst v63  }
0x173: {  	_ =	swait.ge [sflag:s23], $0x800  }
0x174: {  	[sflag:s23] =	ssyncset.done $0x0  }
0x175: {  	s29 =	simm.s32 $0x3840;
	[sflag:s23] =	ssyncadd.s32 $0xFFFFF800  }
0x176: {  	v3 =	vld [tilespmem:s29+$0x30]  }
0x177: {  	v4 =	vld [tilespmem:s29+$0xFFFFFFD0]  }
0x178: {  	v5 =	vld [tilespmem:s29+$0xFFFFFFE0]  }
0x179: {  	v6 =	vld [tilespmem:s29+$0xFFFFFFF0]  }
0x17a: {  	v7 =	vld [tilespmem:s29+$0x0]  }
0x17b: {  	v9 =	vld [tilespmem:s29+$0x10]  }
0x17c: {  	v10 =	vld [tilespmem:s29+$0x20]  }
0x17d: {  	v11 =	vld [tilespmem:s29+$0xFFFFFFC0]  }
0x17e: {  	v12 =	vld.idx.msk [tilespmem:v3+s24+$0x0], $0xffff  }
0x17f: {  	v13 =	vld.idx.msk [tilespmem:v4+s24+$0x0], $0xffff  }
0x180: {  	v8 =	vld.idx.msk [tilespmem:v5+s24+$0x0], $0xffff  }
0x181: {  	v6 =	vld.idx.msk [tilespmem:v6+s24+$0x0], $0xffff  }
0x182: {  	v3 =	vld.idx.msk [tilespmem:v7+s24+$0x0], $0xffff  }
0x183: {  	s7 =	simm.s32 $0x50C0;
	v4 =	vld.idx.msk [tilespmem:v9+s24+$0x0], $0xffff  }
0x184: {  	v5 =	vld.idx.msk [tilespmem:v10+s24+$0x0], $0xffff;
	[tilespmem:s7+$0x30] =	vst v12  }
0x185: {  	s8 =	simm.s32 $0x0;
	s9 =	simm.s32 $0x38C0;
	v7 =	vld.idx.msk [tilespmem:v11+s24+$0x0], $0xffff;
	[tilespmem:s7+$0xFFFFFFD0] =	vst v13  }
.LBB2_17:
0x186: {  	v9 =	vld [tilespmem:s9+$0x30];
	s8 =	sadd.s32 $0x8, s8;
	[tilespmem:s7+$0xFFFFFFE0] =	vst v8  }
0x187: {  	v8 =	vld [tilespmem:s9+$0xFFFFFFD0];
	p2 =	slt.u32 s8, $0x78;
	[tilespmem:s7+$0xFFFFFFF0] =	vst v6  }
0x188: {  	v6 =	vld [tilespmem:s9+$0xFFFFFFE0];
	[tilespmem:s7+$0x0] =	vst v3  }
0x189: {  	v3 =	vld [tilespmem:s9+$0xFFFFFFF0];
	[tilespmem:s7+$0x10] =	vst v4  }
0x18a: {  	v4 =	vld [tilespmem:s9+$0x0];
	[tilespmem:s7+$0x20] =	vst v5  }
0x18b: {  	v5 =	vld [tilespmem:s9+$0x10];
	[tilespmem:s7+$0xFFFFFFC0] =	vst v7  }
0x18c: {  	v7 =	vld [tilespmem:s9+$0x20]  }
0x18d: {  	v10 =	vld [tilespmem:s9+$0xFFFFFFC0]  }
0x18e: {  	v9 =	vld.idx.msk [tilespmem:v9+s24+$0x0], $0xffff  }
0x18f: {  	v11 =	vld.idx.msk [tilespmem:v8+s24+$0x0], $0xffff  }
0x190: {  	v8 =	vld.idx.msk [tilespmem:v6+s24+$0x0], $0xffff  }
.Ltmp10:
0x191: {  	v6 =	vld.idx.msk [tilespmem:v3+s24+$0x0], $0xffff;
	(pc) =	sbr.rel @p2 .LBB2_17-.Ltmp10, $4  }
0x192: {  	v3 =	vld.idx.msk [tilespmem:v4+s24+$0x0], $0xffff  }
0x193: {  	s7 =	sadd.s32 $0x80, s7;
	v4 =	vld.idx.msk [tilespmem:v5+s24+$0x0], $0xffff  }
0x194: {  	v5 =	vld.idx.msk [tilespmem:v7+s24+$0x0], $0xffff;
	[tilespmem:s7+$0x30] =	vst v9  }
0x195: {  	s9 =	sadd.s32 $0x80, s9;
	v7 =	vld.idx.msk [tilespmem:v10+s24+$0x0], $0xffff;
	[tilespmem:s7+$0xFFFFFFD0] =	vst v11  }
0x196: {  	[tilespmem:s7+$0xFFFFFFE0] =	vst v8  }
0x197: {  	[tilespmem:s7+$0xFFFFFFF0] =	vst v6  }
0x198: {  	[tilespmem:s7+$0x0] =	vst v3  }
0x199: {  	[tilespmem:s7+$0x10] =	vst v4  }
0x19a: {  	[tilespmem:s7+$0x20] =	vst v5  }
0x19b: {  	[tilespmem:s7+$0xFFFFFFC0] =	vst v7  }
.Ltmp11:
0x19c: {  	s0 =	rddreg [dreg:$0xe];
	(pc) =	sbr.rel @p1 .LBB2_22-.Ltmp11, $4  }
0x19d: {  	[hbm4b:s0+s21] =	stream.strided.scatter [tilespmem:s3], [sflag:$0x1], $0x800, s22, s21, $0x38;
	[tilespmem:$0x59A0] =	vst v63  }
0x19e: {  	_ =	swait.ge [sflag:s23], $0x800  }
0x19f: {  	[sflag:s23] =	ssyncset.done $0x0  }
0x1a0: {  	[sflag:s23] =	ssyncadd.s32 $0xFFFFF800  }
.LBB2_19:
0x1a1: {  	s0 =	simm.s32 $0x3840  }
0x1a2: {  	v3 =	vld [tilespmem:s0+$0x30]  }
0x1a3: {  	v4 =	vld [tilespmem:s0+$0xFFFFFFD0]  }
0x1a4: {  	v5 =	vld [tilespmem:s0+$0xFFFFFFE0]  }
0x1a5: {  	v6 =	vld [tilespmem:s0+$0xFFFFFFF0]  }
0x1a6: {  	v7 =	vld [tilespmem:s0+$0x0]  }
0x1a7: {  	v9 =	vld [tilespmem:s0+$0x10]  }
0x1a8: {  	v10 =	vld [tilespmem:s0+$0x20]  }
0x1a9: {  	v11 =	vld [tilespmem:s0+$0xFFFFFFC0]  }
0x1aa: {  	v12 =	vld.idx.msk [tilespmem:v3+s25+$0x0], $0xffff  }
0x1ab: {  	v13 =	vld.idx.msk [tilespmem:v4+s25+$0x0], $0xffff  }
0x1ac: {  	v8 =	vld.idx.msk [tilespmem:v5+s25+$0x0], $0xffff  }
0x1ad: {  	v6 =	vld.idx.msk [tilespmem:v6+s25+$0x0], $0xffff  }
0x1ae: {  	v3 =	vld.idx.msk [tilespmem:v7+s25+$0x0], $0xffff  }
0x1af: {  	s7 =	simm.s32 $0x50C0;
	v4 =	vld.idx.msk [tilespmem:v9+s25+$0x0], $0xffff  }
0x1b0: {  	v5 =	vld.idx.msk [tilespmem:v10+s25+$0x0], $0xffff;
	[tilespmem:s7+$0x30] =	vst v12  }
0x1b1: {  	s8 =	simm.s32 $0x0;
	s9 =	simm.s32 $0x38C0;
	v7 =	vld.idx.msk [tilespmem:v11+s25+$0x0], $0xffff;
	[tilespmem:s7+$0xFFFFFFD0] =	vst v13  }
.LBB2_20:
0x1b2: {  	v9 =	vld [tilespmem:s9+$0x30];
	s8 =	sadd.s32 $0x8, s8;
	[tilespmem:s7+$0xFFFFFFE0] =	vst v8  }
0x1b3: {  	v8 =	vld [tilespmem:s9+$0xFFFFFFD0];
	p2 =	slt.u32 s8, $0x78;
	[tilespmem:s7+$0xFFFFFFF0] =	vst v6  }
0x1b4: {  	v6 =	vld [tilespmem:s9+$0xFFFFFFE0];
	[tilespmem:s7+$0x0] =	vst v3  }
0x1b5: {  	v3 =	vld [tilespmem:s9+$0xFFFFFFF0];
	[tilespmem:s7+$0x10] =	vst v4  }
0x1b6: {  	v4 =	vld [tilespmem:s9+$0x0];
	[tilespmem:s7+$0x20] =	vst v5  }
0x1b7: {  	v5 =	vld [tilespmem:s9+$0x10];
	[tilespmem:s7+$0xFFFFFFC0] =	vst v7  }
0x1b8: {  	v7 =	vld [tilespmem:s9+$0x20]  }
0x1b9: {  	v10 =	vld [tilespmem:s9+$0xFFFFFFC0]  }
0x1ba: {  	v9 =	vld.idx.msk [tilespmem:v9+s25+$0x0], $0xffff  }
0x1bb: {  	v11 =	vld.idx.msk [tilespmem:v8+s25+$0x0], $0xffff  }
0x1bc: {  	v8 =	vld.idx.msk [tilespmem:v6+s25+$0x0], $0xffff  }
.Ltmp12:
0x1bd: {  	v6 =	vld.idx.msk [tilespmem:v3+s25+$0x0], $0xffff;
	(pc) =	sbr.rel @p2 .LBB2_20-.Ltmp12, $4  }
0x1be: {  	v3 =	vld.idx.msk [tilespmem:v4+s25+$0x0], $0xffff  }
0x1bf: {  	s7 =	sadd.s32 $0x80, s7;
	v4 =	vld.idx.msk [tilespmem:v5+s25+$0x0], $0xffff  }
0x1c0: {  	v5 =	vld.idx.msk [tilespmem:v7+s25+$0x0], $0xffff;
	[tilespmem:s7+$0x30] =	vst v9  }
0x1c1: {  	s9 =	sadd.s32 $0x80, s9;
	v7 =	vld.idx.msk [tilespmem:v10+s25+$0x0], $0xffff;
	[tilespmem:s7+$0xFFFFFFD0] =	vst v11  }
0x1c2: {  	[tilespmem:s7+$0xFFFFFFE0] =	vst v8  }
0x1c3: {  	[tilespmem:s7+$0xFFFFFFF0] =	vst v6  }
0x1c4: {  	[tilespmem:s7+$0x0] =	vst v3  }
0x1c5: {  	[tilespmem:s7+$0x10] =	vst v4  }
0x1c6: {  	[tilespmem:s7+$0x20] =	vst v5  }
0x1c7: {  	[tilespmem:s7+$0xFFFFFFC0] =	vst v7  }
.Ltmp13:
0x1c8: {  	s0 =	rddreg [dreg:$0xf];
	(pc) =	sbr.rel .LBB2_22-.Ltmp13, $4  }
0x1c9: {  	[hbm4b:s0+s21] =	stream.strided.scatter [tilespmem:s3], [sflag:$0x1], $0x800, s22, s21, $0x38;
	[tilespmem:$0x59A0] =	vst v63  }
0x1ca: {  	_ =	swait.ge [sflag:s23], $0x800  }
0x1cb: {  	[sflag:s23] =	ssyncset.done $0x0  }
0x1cc: {  	[sflag:s23] =	ssyncadd.s32 $0xFFFFF800  }
.LBB2_23:
0x1cd: {  	_ =	sfence.sel $0x180000  }
0x1ce: {  	[bflag:$0x0] =	sbarrier.arrive $0xFFFF  }
0x1cf: {  	_ =	strace $0x90000047  }
0x1d0: {  	s0 =	stileid.u32;
	[bflag:$0x2] =	sbarrier.arrive $0xFFFF  }
0x1d1: {  	p0 =	sne.s32 s0, $0x0;
	s0 =	rddreg [dreg:$0x6]  }
0x1d2: {  	s0 =	sadd.s32 @!p0 $0x100000, s0  }
0x1d3: {  	[sflag:s0] =	ssyncadd.tile.s32 @!p0 $0x1;
	_ =	shalt  }
.Lfunc_end2:
_tile_overlayer_lowered:
.L_overlay_start_2:
0x1d4: {  	(tag) =	ssettag $0x2  }
0x1d5: {  	s0 =	rddreg [dreg:$0x0];
	s2 =	stileid.u32  }
0x1d6: {  	s1 =	rddreg [dreg:$0x1];
	p0 =	sne.s32 s2, $0x0  }
0x1d7: {  	s3 =	rddreg [dreg:$0x2];
	[bflag:$0x3] =	sbarrier.arrive $0xFFFF;
	s2 =	simm.s32 @!p0 $0x1C01  }
0x1d8: {  	[timem:s3], [sflag:s2] =	dma.local @!p0 [hbm:s0], s1  }
0x1d9: {  	s0 =	simm.s32 @!p0 $0x1  }
0x1da: {  	_ =	swait.ge @!p0 [sflag:s0], s1  }
0x1db: {  	s1 =	ssub.s32 @!p0 $0x0, s1;
	[sflag:s0] =	ssyncset.done @!p0 $0x0  }
0x1dc: {  	[sflag:s0] =	ssyncadd.s32 @!p0 s1  }
0x1dd: {  	[bflag:$0x3] =	sbarrier.arrive $0xFFFF  }
0x1de: {  	_ =	shalt  }

</sc_bundles>
